<compile_context>
chip_gen: v7x
topology: tpu7x:2x2x1
jax: 0.10.2.dev20260603
libtpu: 0.0.44.dev20260713+nightly
codegen_flags: <defaults>
</compile_context>

<pallas_src>
import functools

import jax
import jax.numpy as jnp
from jax import lax
from jax.experimental import pallas as pl
from jax.experimental.pallas import tpu as pltpu
from jax.experimental.pallas import tpu_sc as plsc

_SMOOTH = 0.1
_LANES = 16
_NW = 32


def _tc_body(x_ref, out_ref, *, classes):
    i = pl.program_id(0)
    x = x_ref[...]
    m = jnp.max(x, axis=1, keepdims=True)
    se = jnp.sum(jnp.exp(x - m), axis=1)
    lse = m[:, 0] + jnp.log(se)
    sx = jnp.sum(x, axis=1)

    a = _SMOOTH / (classes - 1)
    b = (1.0 - _SMOOTH) - a
    part = jnp.sum((a * classes + b) * lse - a * sx)

    @pl.when(i == 0)
    def _init():
        out_ref[0, 0] = 0.0

    out_ref[0, 0] += part


def _tc_dense(prediction):
    n, classes = prediction.shape
    block_rows = 512
    grid = n // block_rows
    total = pl.pallas_call(
        functools.partial(_tc_body, classes=classes),
        grid=(grid,),
        in_specs=[pl.BlockSpec((block_rows, classes), lambda i: (i, 0))],
        out_specs=pl.BlockSpec(
            (1, 1), lambda i: (0, 0), memory_space=pltpu.SMEM
        ),
        out_shape=jax.ShapeDtypeStruct((1, 1), jnp.float32),
    )(prediction)
    return total[0, 0]


def _sc_body(xflat_hbm, tgt_hbm, out_hbm, tgt_v, idx_v, val_v, acc_v, sem,
             *, n, classes):
    c = lax.axis_index("c")
    s = lax.axis_index("s")
    wid = s * 2 + c
    per = n // _NW
    base = wid * per
    pltpu.sync_copy(tgt_hbm.at[pl.ds(base, per)], tgt_v)
    acc = jnp.zeros((_LANES,), jnp.float32)
    lane_off = lax.iota(jnp.int32, _LANES) * classes
    for r in range(per // 128):
        for j in range(8):
            t16 = tgt_v[pl.ds(r * 128 + j * 16, _LANES)]
            row0 = (base + r * 128 + j * 16) * classes
            idx_v[pl.ds(j * 16, _LANES)] = t16 + lane_off + row0
        pltpu.async_copy(xflat_hbm.at[idx_v], val_v, sem).wait()
        for j in range(8):
            acc = acc + val_v[pl.ds(j * 16, _LANES)]
    acc_v[...] = acc
    pltpu.sync_copy(acc_v, out_hbm.at[wid])


def _sc_gather_sum(prediction, target):
    n, classes = prediction.shape
    xflat = prediction.reshape(-1)
    tgt = target.astype(jnp.int32)
    mesh = plsc.VectorSubcoreMesh(core_axis_name="c", subcore_axis_name="s")
    run = pl.kernel(
        functools.partial(_sc_body, n=n, classes=classes),
        out_type=jax.ShapeDtypeStruct((_NW, _LANES), jnp.float32),
        mesh=mesh,
        scratch_types=[
            pltpu.VMEM((n // _NW,), jnp.int32),
            pltpu.VMEM((128,), jnp.int32),
            pltpu.VMEM((128,), jnp.float32),
            pltpu.VMEM((_LANES,), jnp.float32),
            pltpu.SemaphoreType.DMA,
        ],
    )
    return jnp.sum(run(xflat, tgt))


def kernel(prediction, target):
    n, classes = prediction.shape
    a = _SMOOTH / (classes - 1)
    b = (1.0 - _SMOOTH) - a
    dense = _tc_dense(prediction)
    gathered = _sc_gather_sum(prediction, target)
    return (dense - b * gathered) / n

# --- scband reference (transcript-rebuilt; emitter-appended) ---
"""Pipeline reference for scband-label-smoothing-loss-59536836657713 (READ-ONLY COPY).

The authoritative reference and input builder live on the scoring server;
editing this copy changes nothing except your own understanding.
"""

import jax, jax.numpy as jnp
import numpy as np

SMOOTHING = 0.1

def setup_inputs(seed: int = 0) -> dict:
    key = jax.random.key(seed)
    k1, k2 = jax.random.split(key)
    prediction = jax.random.normal(k1, (16384, 1000), dtype=jnp.float32)
    target = jax.random.randint(k2, (16384,), 0, 1000, dtype=jnp.int64)
    return {"prediction": prediction, "target": target}

def smooth_one_hot(true_labels, classes):
    confidence = 1.0 - SMOOTHING
    n = true_labels.shape[0]
    true_dist = jnp.full((n, classes), SMOOTHING / (classes - 1), dtype=jnp.float32)
    true_dist = true_dist.at[jnp.arange(n), true_labels].set(confidence)
    return true_dist

def reference(prediction, target):
    logp = jax.nn.log_softmax(prediction, axis=-1)
    classes = prediction.shape[-1]
    true_dist = smooth_one_hot(target, classes)
    loss = jnp.mean(jnp.sum(-true_dist * logp, axis=-1))
    return loss

if __name__ == "__main__":
    import jax
    _d = setup_inputs()
    print(jax.jit(kernel)(*tuple(_d.values())))

</pallas_src>

<mosaic_0001>
#map = affine_map<(d0, d1) -> (0)>
#map1 = affine_map<(d0, d1) -> (0, 0)>
module attributes {stable_mosaic.version = 14 : i64} {
  func.func @_sc_body(%arg0: i32, %arg1: i32, %arg2: memref<16384000xf32, #tpu.memory_space<hbm>>, %arg3: memref<16384xi32, #tpu.memory_space<hbm>>, %arg4: memref<32x16xf32, #tpu.memory_space<hbm>>, %arg5: memref<512xi32, #tpu.memory_space<vmem>>, %arg6: memref<128xi32, #tpu.memory_space<vmem>>, %arg7: memref<128xf32, #tpu.memory_space<vmem>>, %arg8: memref<16xf32, #tpu.memory_space<vmem>>, %arg9: memref<!tpu.dma_semaphore, #tpu.memory_space<semaphore_mem>>) attributes {dimension_semantics = [#tpu.dimension_semantics<core_parallel>, #tpu.dimension_semantics<subcore_parallel>], iteration_bounds = array<i64: 2, 16>, scalar_prefetch = 0 : i64, scratch_operands = 5 : i64, tpu.core_type = #tpu.core_type<sc_vector_subcore>, window_params = [{transform_indices = #map}, {transform_indices = #map}, {transform_indices = #map1}]} {
    %mul3A = arith.constant 2 : i32
    %mul3A_0 = arith.muli %arg1, %mul3A : i32
    %add3A = arith.addi %mul3A_0, %arg0 : i32
    %mul3A_1 = arith.constant 512 : i32
    %mul3A_2 = arith.muli %add3A, %mul3A_1 : i32
    "tpu.region"() ({
      %run_scoped3A = tpu.sem_alloc : memref<!tpu.dma_semaphore, #tpu.memory_space<semaphore_mem>>
      %dma_start3A_663 = tpu.memref_slice %arg3[%mul3A_2] : memref<16384xi32, #tpu.memory_space<hbm>> -> memref<512xi32, #tpu.memory_space<hbm>>
      %dma_start3A_664 = tpu.memref_slice %arg3[%mul3A_2] : memref<16384xi32, #tpu.memory_space<hbm>> -> memref<512xi32, #tpu.memory_space<hbm>>
      tpu.enqueue_dma source(%dma_start3A_664 : memref<512xi32, #tpu.memory_space<hbm>>) target(%arg5 : memref<512xi32, #tpu.memory_space<vmem>>) target_semaphore(%run_scoped3A : memref<!tpu.dma_semaphore, #tpu.memory_space<semaphore_mem>>)
      %dma_wait3A_665 = tpu.memref_slice %arg3[%mul3A_2] : memref<16384xi32, #tpu.memory_space<hbm>> -> memref<512xi32, #tpu.memory_space<hbm>>
      %dma_wait3A_666 = tpu.memref_slice %arg3[%mul3A_2] : memref<16384xi32, #tpu.memory_space<hbm>> -> memref<512xi32, #tpu.memory_space<hbm>>
      tpu.wait_dma2 semaphore(%run_scoped3A : memref<!tpu.dma_semaphore, #tpu.memory_space<semaphore_mem>>) src(%dma_wait3A_666 : memref<512xi32, #tpu.memory_space<hbm>>) dst(%arg5 : memref<512xi32, #tpu.memory_space<vmem>>)
      tpu.yield
    }) : () -> ()
    %broadcast_in_dim3A = arith.constant 0.000000e+00 : f32
    %broadcast_in_dim3A_3 = vector.broadcast %broadcast_in_dim3A : f32 to vector<16xf32>
    %iota3A = tpu.iota {dimensions = array<i32: 0>} : vector<16xi32>
    %mul3A_4 = arith.constant 1000 : i32
    %mul3A_5 = vector.broadcast %mul3A_4 : i32 to vector<16xi32>
    %mul3A_6 = arith.muli %iota3A, %mul3A_5 : vector<16xi32>
    %get3A = arith.constant 0 : index
    %get3A_7 = tpu.vector_load %arg5[%get3A] {strides = array<i32>} : memref<512xi32, #tpu.memory_space<vmem>>, vector<16xi32>,
    %get3A_8 = vector.shape_cast %get3A_7 : vector<16xi32> to vector<16xi32>
    %add3A_9 = arith.constant 0 : i32
    %add3A_10 = arith.addi %mul3A_2, %add3A_9 : i32
    %add3A_11 = arith.constant 0 : i32
    %add3A_12 = arith.addi %add3A_10, %add3A_11 : i32
    %mul3A_13 = arith.constant 1000 : i32
    %mul3A_14 = arith.muli %add3A_12, %mul3A_13 : i32
    %add3A_15 = arith.addi %get3A_8, %mul3A_6 : vector<16xi32>
    %add3A_16 = vector.broadcast %mul3A_14 : i32 to vector<16xi32>
    %add3A_17 = arith.addi %add3A_15, %add3A_16 : vector<16xi32>
    %swap3A = arith.constant 0 : index
    %swap3A_18 = tpu.vector_load %arg6[%swap3A] {strides = array<i32>} : memref<128xi32, #tpu.memory_space<vmem>>, vector<16xi32>,
    %swap3A_19 = vector.shape_cast %swap3A_18 : vector<16xi32> to vector<16xi32>
    %swap3A_20 = vector.shape_cast %add3A_17 : vector<16xi32> to vector<16xi32>
    tpu.vector_store %arg6[%swap3A], %swap3A_20 {strides = array<i32>} : memref<128xi32, #tpu.memory_space<vmem>>, vector<16xi32>,
    %get3A_21 = arith.constant 16 : index
    %get3A_22 = tpu.vector_load %arg5[%get3A_21] {strides = array<i32>} : memref<512xi32, #tpu.memory_space<vmem>>, vector<16xi32>,
    %get3A_23 = vector.shape_cast %get3A_22 : vector<16xi32> to vector<16xi32>
    %add3A_24 = arith.constant 0 : i32
    %add3A_25 = arith.addi %mul3A_2, %add3A_24 : i32
    %add3A_26 = arith.constant 16 : i32
    %add3A_27 = arith.addi %add3A_25, %add3A_26 : i32
    %mul3A_28 = arith.constant 1000 : i32
    %mul3A_29 = arith.muli %add3A_27, %mul3A_28 : i32
    %add3A_30 = arith.addi %get3A_23, %mul3A_6 : vector<16xi32>
    %add3A_31 = vector.broadcast %mul3A_29 : i32 to vector<16xi32>
    %add3A_32 = arith.addi %add3A_30, %add3A_31 : vector<16xi32>
    %swap3A_33 = arith.constant 16 : index
    %swap3A_34 = tpu.vector_load %arg6[%swap3A_33] {strides = array<i32>} : memref<128xi32, #tpu.memory_space<vmem>>, vector<16xi32>,
    %swap3A_35 = vector.shape_cast %swap3A_34 : vector<16xi32> to vector<16xi32>
    %swap3A_36 = vector.shape_cast %add3A_32 : vector<16xi32> to vector<16xi32>
    tpu.vector_store %arg6[%swap3A_33], %swap3A_36 {strides = array<i32>} : memref<128xi32, #tpu.memory_space<vmem>>, vector<16xi32>,
    %get3A_37 = arith.constant 32 : index
    %get3A_38 = tpu.vector_load %arg5[%get3A_37] {strides = array<i32>} : memref<512xi32, #tpu.memory_space<vmem>>, vector<16xi32>,
    %get3A_39 = vector.shape_cast %get3A_38 : vector<16xi32> to vector<16xi32>
    %add3A_40 = arith.constant 0 : i32
    %add3A_41 = arith.addi %mul3A_2, %add3A_40 : i32
    %add3A_42 = arith.constant 32 : i32
    %add3A_43 = arith.addi %add3A_41, %add3A_42 : i32
    %mul3A_44 = arith.constant 1000 : i32
    %mul3A_45 = arith.muli %add3A_43, %mul3A_44 : i32
    %add3A_46 = arith.addi %get3A_39, %mul3A_6 : vector<16xi32>
    %add3A_47 = vector.broadcast %mul3A_45 : i32 to vector<16xi32>
    %add3A_48 = arith.addi %add3A_46, %add3A_47 : vector<16xi32>
    %swap3A_49 = arith.constant 32 : index
    %swap3A_50 = tpu.vector_load %arg6[%swap3A_49] {strides = array<i32>} : memref<128xi32, #tpu.memory_space<vmem>>, vector<16xi32>,
    %swap3A_51 = vector.shape_cast %swap3A_50 : vector<16xi32> to vector<16xi32>
    %swap3A_52 = vector.shape_cast %add3A_48 : vector<16xi32> to vector<16xi32>
    tpu.vector_store %arg6[%swap3A_49], %swap3A_52 {strides = array<i32>} : memref<128xi32, #tpu.memory_space<vmem>>, vector<16xi32>,
    %get3A_53 = arith.constant 48 : index
    %get3A_54 = tpu.vector_load %arg5[%get3A_53] {strides = array<i32>} : memref<512xi32, #tpu.memory_space<vmem>>, vector<16xi32>,
    %get3A_55 = vector.shape_cast %get3A_54 : vector<16xi32> to vector<16xi32>
    %add3A_56 = arith.constant 0 : i32
    %add3A_57 = arith.addi %mul3A_2, %add3A_56 : i32
    %add3A_58 = arith.constant 48 : i32
    %add3A_59 = arith.addi %add3A_57, %add3A_58 : i32
    %mul3A_60 = arith.constant 1000 : i32
    %mul3A_61 = arith.muli %add3A_59, %mul3A_60 : i32
    %add3A_62 = arith.addi %get3A_55, %mul3A_6 : vector<16xi32>
    %add3A_63 = vector.broadcast %mul3A_61 : i32 to vector<16xi32>
    %add3A_64 = arith.addi %add3A_62, %add3A_63 : vector<16xi32>
    %swap3A_65 = arith.constant 48 : index
    %swap3A_66 = tpu.vector_load %arg6[%swap3A_65] {strides = array<i32>} : memref<128xi32, #tpu.memory_space<vmem>>, vector<16xi32>,
    %swap3A_67 = vector.shape_cast %swap3A_66 : vector<16xi32> to vector<16xi32>
    %swap3A_68 = vector.shape_cast %add3A_64 : vector<16xi32> to vector<16xi32>
    tpu.vector_store %arg6[%swap3A_65], %swap3A_68 {strides = array<i32>} : memref<128xi32, #tpu.memory_space<vmem>>, vector<16xi32>,
    %get3A_69 = arith.constant 64 : index
    %get3A_70 = tpu.vector_load %arg5[%get3A_69] {strides = array<i32>} : memref<512xi32, #tpu.memory_space<vmem>>, vector<16xi32>,
    %get3A_71 = vector.shape_cast %get3A_70 : vector<16xi32> to vector<16xi32>
    %add3A_72 = arith.constant 0 : i32
    %add3A_73 = arith.addi %mul3A_2, %add3A_72 : i32
    %add3A_74 = arith.constant 64 : i32
    %add3A_75 = arith.addi %add3A_73, %add3A_74 : i32
    %mul3A_76 = arith.constant 1000 : i32
    %mul3A_77 = arith.muli %add3A_75, %mul3A_76 : i32
    %add3A_78 = arith.addi %get3A_71, %mul3A_6 : vector<16xi32>
    %add3A_79 = vector.broadcast %mul3A_77 : i32 to vector<16xi32>
    %add3A_80 = arith.addi %add3A_78, %add3A_79 : vector<16xi32>
    %swap3A_81 = arith.constant 64 : index
    %swap3A_82 = tpu.vector_load %arg6[%swap3A_81] {strides = array<i32>} : memref<128xi32, #tpu.memory_space<vmem>>, vector<16xi32>,
    %swap3A_83 = vector.shape_cast %swap3A_82 : vector<16xi32> to vector<16xi32>
    %swap3A_84 = vector.shape_cast %add3A_80 : vector<16xi32> to vector<16xi32>
    tpu.vector_store %arg6[%swap3A_81], %swap3A_84 {strides = array<i32>} : memref<128xi32, #tpu.memory_space<vmem>>, vector<16xi32>,
    %get3A_85 = arith.constant 80 : index
    %get3A_86 = tpu.vector_load %arg5[%get3A_85] {strides = array<i32>} : memref<512xi32, #tpu.memory_space<vmem>>, vector<16xi32>,
    %get3A_87 = vector.shape_cast %get3A_86 : vector<16xi32> to vector<16xi32>
    %add3A_88 = arith.constant 0 : i32
    %add3A_89 = arith.addi %mul3A_2, %add3A_88 : i32
    %add3A_90 = arith.constant 80 : i32
    %add3A_91 = arith.addi %add3A_89, %add3A_90 : i32
    %mul3A_92 = arith.constant 1000 : i32
    %mul3A_93 = arith.muli %add3A_91, %mul3A_92 : i32
    %add3A_94 = arith.addi %get3A_87, %mul3A_6 : vector<16xi32>
    %add3A_95 = vector.broadcast %mul3A_93 : i32 to vector<16xi32>
    %add3A_96 = arith.addi %add3A_94, %add3A_95 : vector<16xi32>
    %swap3A_97 = arith.constant 80 : index
    %swap3A_98 = tpu.vector_load %arg6[%swap3A_97] {strides = array<i32>} : memref<128xi32, #tpu.memory_space<vmem>>, vector<16xi32>,
    %swap3A_99 = vector.shape_cast %swap3A_98 : vector<16xi32> to vector<16xi32>
    %swap3A_100 = vector.shape_cast %add3A_96 : vector<16xi32> to vector<16xi32>
    tpu.vector_store %arg6[%swap3A_97], %swap3A_100 {strides = array<i32>} : memref<128xi32, #tpu.memory_space<vmem>>, vector<16xi32>,
    %get3A_101 = arith.constant 96 : index
    %get3A_102 = tpu.vector_load %arg5[%get3A_101] {strides = array<i32>} : memref<512xi32, #tpu.memory_space<vmem>>, vector<16xi32>,
    %get3A_103 = vector.shape_cast %get3A_102 : vector<16xi32> to vector<16xi32>
    %add3A_104 = arith.constant 0 : i32
    %add3A_105 = arith.addi %mul3A_2, %add3A_104 : i32
    %add3A_106 = arith.constant 96 : i32
    %add3A_107 = arith.addi %add3A_105, %add3A_106 : i32
    %mul3A_108 = arith.constant 1000 : i32
    %mul3A_109 = arith.muli %add3A_107, %mul3A_108 : i32
    %add3A_110 = arith.addi %get3A_103, %mul3A_6 : vector<16xi32>
    %add3A_111 = vector.broadcast %mul3A_109 : i32 to vector<16xi32>
    %add3A_112 = arith.addi %add3A_110, %add3A_111 : vector<16xi32>
    %swap3A_113 = arith.constant 96 : index
    %swap3A_114 = tpu.vector_load %arg6[%swap3A_113] {strides = array<i32>} : memref<128xi32, #tpu.memory_space<vmem>>, vector<16xi32>,
    %swap3A_115 = vector.shape_cast %swap3A_114 : vector<16xi32> to vector<16xi32>
    %swap3A_116 = vector.shape_cast %add3A_112 : vector<16xi32> to vector<16xi32>
    tpu.vector_store %arg6[%swap3A_113], %swap3A_116 {strides = array<i32>} : memref<128xi32, #tpu.memory_space<vmem>>, vector<16xi32>,
    %get3A_117 = arith.constant 112 : index
    %get3A_118 = tpu.vector_load %arg5[%get3A_117] {strides = array<i32>} : memref<512xi32, #tpu.memory_space<vmem>>, vector<16xi32>,
    %get3A_119 = vector.shape_cast %get3A_118 : vector<16xi32> to vector<16xi32>
    %add3A_120 = arith.constant 0 : i32
    %add3A_121 = arith.addi %mul3A_2, %add3A_120 : i32
    %add3A_122 = arith.constant 112 : i32
    %add3A_123 = arith.addi %add3A_121, %add3A_122 : i32
    %mul3A_124 = arith.constant 1000 : i32
    %mul3A_125 = arith.muli %add3A_123, %mul3A_124 : i32
    %add3A_126 = arith.addi %get3A_119, %mul3A_6 : vector<16xi32>
    %add3A_127 = vector.broadcast %mul3A_125 : i32 to vector<16xi32>
    %add3A_128 = arith.addi %add3A_126, %add3A_127 : vector<16xi32>
    %swap3A_129 = arith.constant 112 : index
    %swap3A_130 = tpu.vector_load %arg6[%swap3A_129] {strides = array<i32>} : memref<128xi32, #tpu.memory_space<vmem>>, vector<16xi32>,
    %swap3A_131 = vector.shape_cast %swap3A_130 : vector<16xi32> to vector<16xi32>
    %swap3A_132 = vector.shape_cast %add3A_128 : vector<16xi32> to vector<16xi32>
    tpu.vector_store %arg6[%swap3A_129], %swap3A_132 {strides = array<i32>} : memref<128xi32, #tpu.memory_space<vmem>>, vector<16xi32>,
    %dma_start3A = arith.constant 0 : i32
    %dma_start3A_133 = tpu.memref_slice %arg2[%dma_start3A] : memref<16384000xf32, #tpu.memory_space<hbm>> -> memref<16384000xf32, #tpu.memory_space<hbm>>
    tpu.enqueue_indirect_dma source(%dma_start3A_133 : memref<16384000xf32, #tpu.memory_space<hbm>>) target(%arg7 : memref<128xf32, #tpu.memory_space<vmem>>) offsets(%arg6 : memref<128xi32, #tpu.memory_space<vmem>>) semaphore(%arg9 : memref<!tpu.dma_semaphore, #tpu.memory_space<semaphore_mem>>)
    %dma_wait3A = arith.constant 0 : i32
    %dma_wait3A_134 = tpu.memref_slice %arg2[%dma_wait3A] : memref<16384000xf32, #tpu.memory_space<hbm>> -> memref<16384000xf32, #tpu.memory_space<hbm>>
    tpu.wait_indirect_dma semaphore(%arg9 : memref<!tpu.dma_semaphore, #tpu.memory_space<semaphore_mem>>) src(%dma_wait3A_134 : memref<16384000xf32, #tpu.memory_space<hbm>>) dst(%arg7 : memref<128xf32, #tpu.memory_space<vmem>>)
    %get3A_135 = arith.constant 0 : index
    %get3A_136 = tpu.vector_load %arg7[%get3A_135] {strides = array<i32>} : memref<128xf32, #tpu.memory_space<vmem>>, vector<16xf32>,
    %get3A_137 = vector.shape_cast %get3A_136 : vector<16xf32> to vector<16xf32>
    %add3A_138 = arith.addf %broadcast_in_dim3A_3, %get3A_137 : vector<16xf32>
    %get3A_139 = arith.constant 16 : index
    %get3A_140 = tpu.vector_load %arg7[%get3A_139] {strides = array<i32>} : memref<128xf32, #tpu.memory_space<vmem>>, vector<16xf32>,
    %get3A_141 = vector.shape_cast %get3A_140 : vector<16xf32> to vector<16xf32>
    %add3A_142 = arith.addf %add3A_138, %get3A_141 : vector<16xf32>
    %get3A_143 = arith.constant 32 : index
    %get3A_144 = tpu.vector_load %arg7[%get3A_143] {strides = array<i32>} : memref<128xf32, #tpu.memory_space<vmem>>, vector<16xf32>,
    %get3A_145 = vector.shape_cast %get3A_144 : vector<16xf32> to vector<16xf32>
    %add3A_146 = arith.addf %add3A_142, %get3A_145 : vector<16xf32>
    %get3A_147 = arith.constant 48 : index
    %get3A_148 = tpu.vector_load %arg7[%get3A_147] {strides = array<i32>} : memref<128xf32, #tpu.memory_space<vmem>>, vector<16xf32>,
    %get3A_149 = vector.shape_cast %get3A_148 : vector<16xf32> to vector<16xf32>
    %add3A_150 = arith.addf %add3A_146, %get3A_149 : vector<16xf32>
    %get3A_151 = arith.constant 64 : index
    %get3A_152 = tpu.vector_load %arg7[%get3A_151] {strides = array<i32>} : memref<128xf32, #tpu.memory_space<vmem>>, vector<16xf32>,
    %get3A_153 = vector.shape_cast %get3A_152 : vector<16xf32> to vector<16xf32>
    %add3A_154 = arith.addf %add3A_150, %get3A_153 : vector<16xf32>
    %get3A_155 = arith.constant 80 : index
    %get3A_156 = tpu.vector_load %arg7[%get3A_155] {strides = array<i32>} : memref<128xf32, #tpu.memory_space<vmem>>, vector<16xf32>,
    %get3A_157 = vector.shape_cast %get3A_156 : vector<16xf32> to vector<16xf32>
    %add3A_158 = arith.addf %add3A_154, %get3A_157 : vector<16xf32>
    %get3A_159 = arith.constant 96 : index
    %get3A_160 = tpu.vector_load %arg7[%get3A_159] {strides = array<i32>} : memref<128xf32, #tpu.memory_space<vmem>>, vector<16xf32>,
    %get3A_161 = vector.shape_cast %get3A_160 : vector<16xf32> to vector<16xf32>
    %add3A_162 = arith.addf %add3A_158, %get3A_161 : vector<16xf32>
    %get3A_163 = arith.constant 112 : index
    %get3A_164 = tpu.vector_load %arg7[%get3A_163] {strides = array<i32>} : memref<128xf32, #tpu.memory_space<vmem>>, vector<16xf32>,
    %get3A_165 = vector.shape_cast %get3A_164 : vector<16xf32> to vector<16xf32>
    %add3A_166 = arith.addf %add3A_162, %get3A_165 : vector<16xf32>
    %get3A_167 = arith.constant 128 : index
    %get3A_168 = tpu.vector_load %arg5[%get3A_167] {strides = array<i32>} : memref<512xi32, #tpu.memory_space<vmem>>, vector<16xi32>,
    %get3A_169 = vector.shape_cast %get3A_168 : vector<16xi32> to vector<16xi32>
    %add3A_170 = arith.constant 128 : i32
    %add3A_171 = arith.addi %mul3A_2, %add3A_170 : i32
    %add3A_172 = arith.constant 0 : i32
    %add3A_173 = arith.addi %add3A_171, %add3A_172 : i32
    %mul3A_174 = arith.constant 1000 : i32
    %mul3A_175 = arith.muli %add3A_173, %mul3A_174 : i32
    %add3A_176 = arith.addi %get3A_169, %mul3A_6 : vector<16xi32>
    %add3A_177 = vector.broadcast %mul3A_175 : i32 to vector<16xi32>
    %add3A_178 = arith.addi %add3A_176, %add3A_177 : vector<16xi32>
    %swap3A_179 = arith.constant 0 : index
    %swap3A_180 = tpu.vector_load %arg6[%swap3A_179] {strides = array<i32>} : memref<128xi32, #tpu.memory_space<vmem>>, vector<16xi32>,
    %swap3A_181 = vector.shape_cast %swap3A_180 : vector<16xi32> to vector<16xi32>
    %swap3A_182 = vector.shape_cast %add3A_178 : vector<16xi32> to vector<16xi32>
    tpu.vector_store %arg6[%swap3A_179], %swap3A_182 {strides = array<i32>} : memref<128xi32, #tpu.memory_space<vmem>>, vector<16xi32>,
    %get3A_183 = arith.constant 144 : index
    %get3A_184 = tpu.vector_load %arg5[%get3A_183] {strides = array<i32>} : memref<512xi32, #tpu.memory_space<vmem>>, vector<16xi32>,
    %get3A_185 = vector.shape_cast %get3A_184 : vector<16xi32> to vector<16xi32>
    %add3A_186 = arith.constant 128 : i32
    %add3A_187 = arith.addi %mul3A_2, %add3A_186 : i32
    %add3A_188 = arith.constant 16 : i32
    %add3A_189 = arith.addi %add3A_187, %add3A_188 : i32
    %mul3A_190 = arith.constant 1000 : i32
    %mul3A_191 = arith.muli %add3A_189, %mul3A_190 : i32
    %add3A_192 = arith.addi %get3A_185, %mul3A_6 : vector<16xi32>
    %add3A_193 = vector.broadcast %mul3A_191 : i32 to vector<16xi32>
    %add3A_194 = arith.addi %add3A_192, %add3A_193 : vector<16xi32>
    %swap3A_195 = arith.constant 16 : index
    %swap3A_196 = tpu.vector_load %arg6[%swap3A_195] {strides = array<i32>} : memref<128xi32, #tpu.memory_space<vmem>>, vector<16xi32>,
    %swap3A_197 = vector.shape_cast %swap3A_196 : vector<16xi32> to vector<16xi32>
    %swap3A_198 = vector.shape_cast %add3A_194 : vector<16xi32> to vector<16xi32>
    tpu.vector_store %arg6[%swap3A_195], %swap3A_198 {strides = array<i32>} : memref<128xi32, #tpu.memory_space<vmem>>, vector<16xi32>,
    %get3A_199 = arith.constant 160 : index
    %get3A_200 = tpu.vector_load %arg5[%get3A_199] {strides = array<i32>} : memref<512xi32, #tpu.memory_space<vmem>>, vector<16xi32>,
    %get3A_201 = vector.shape_cast %get3A_200 : vector<16xi32> to vector<16xi32>
    %add3A_202 = arith.constant 128 : i32
    %add3A_203 = arith.addi %mul3A_2, %add3A_202 : i32
    %add3A_204 = arith.constant 32 : i32
    %add3A_205 = arith.addi %add3A_203, %add3A_204 : i32
    %mul3A_206 = arith.constant 1000 : i32
    %mul3A_207 = arith.muli %add3A_205, %mul3A_206 : i32
    %add3A_208 = arith.addi %get3A_201, %mul3A_6 : vector<16xi32>
    %add3A_209 = vector.broadcast %mul3A_207 : i32 to vector<16xi32>
    %add3A_210 = arith.addi %add3A_208, %add3A_209 : vector<16xi32>
    %swap3A_211 = arith.constant 32 : index
    %swap3A_212 = tpu.vector_load %arg6[%swap3A_211] {strides = array<i32>} : memref<128xi32, #tpu.memory_space<vmem>>, vector<16xi32>,
    %swap3A_213 = vector.shape_cast %swap3A_212 : vector<16xi32> to vector<16xi32>
    %swap3A_214 = vector.shape_cast %add3A_210 : vector<16xi32> to vector<16xi32>
    tpu.vector_store %arg6[%swap3A_211], %swap3A_214 {strides = array<i32>} : memref<128xi32, #tpu.memory_space<vmem>>, vector<16xi32>,
    %get3A_215 = arith.constant 176 : index
    %get3A_216 = tpu.vector_load %arg5[%get3A_215] {strides = array<i32>} : memref<512xi32, #tpu.memory_space<vmem>>, vector<16xi32>,
    %get3A_217 = vector.shape_cast %get3A_216 : vector<16xi32> to vector<16xi32>
    %add3A_218 = arith.constant 128 : i32
    %add3A_219 = arith.addi %mul3A_2, %add3A_218 : i32
    %add3A_220 = arith.constant 48 : i32
    %add3A_221 = arith.addi %add3A_219, %add3A_220 : i32
    %mul3A_222 = arith.constant 1000 : i32
    %mul3A_223 = arith.muli %add3A_221, %mul3A_222 : i32
    %add3A_224 = arith.addi %get3A_217, %mul3A_6 : vector<16xi32>
    %add3A_225 = vector.broadcast %mul3A_223 : i32 to vector<16xi32>
    %add3A_226 = arith.addi %add3A_224, %add3A_225 : vector<16xi32>
    %swap3A_227 = arith.constant 48 : index
    %swap3A_228 = tpu.vector_load %arg6[%swap3A_227] {strides = array<i32>} : memref<128xi32, #tpu.memory_space<vmem>>, vector<16xi32>,
    %swap3A_229 = vector.shape_cast %swap3A_228 : vector<16xi32> to vector<16xi32>
    %swap3A_230 = vector.shape_cast %add3A_226 : vector<16xi32> to vector<16xi32>
    tpu.vector_store %arg6[%swap3A_227], %swap3A_230 {strides = array<i32>} : memref<128xi32, #tpu.memory_space<vmem>>, vector<16xi32>,
    %get3A_231 = arith.constant 192 : index
    %get3A_232 = tpu.vector_load %arg5[%get3A_231] {strides = array<i32>} : memref<512xi32, #tpu.memory_space<vmem>>, vector<16xi32>,
    %get3A_233 = vector.shape_cast %get3A_232 : vector<16xi32> to vector<16xi32>
    %add3A_234 = arith.constant 128 : i32
    %add3A_235 = arith.addi %mul3A_2, %add3A_234 : i32
    %add3A_236 = arith.constant 64 : i32
    %add3A_237 = arith.addi %add3A_235, %add3A_236 : i32
    %mul3A_238 = arith.constant 1000 : i32
    %mul3A_239 = arith.muli %add3A_237, %mul3A_238 : i32
    %add3A_240 = arith.addi %get3A_233, %mul3A_6 : vector<16xi32>
    %add3A_241 = vector.broadcast %mul3A_239 : i32 to vector<16xi32>
    %add3A_242 = arith.addi %add3A_240, %add3A_241 : vector<16xi32>
    %swap3A_243 = arith.constant 64 : index
    %swap3A_244 = tpu.vector_load %arg6[%swap3A_243] {strides = array<i32>} : memref<128xi32, #tpu.memory_space<vmem>>, vector<16xi32>,
    %swap3A_245 = vector.shape_cast %swap3A_244 : vector<16xi32> to vector<16xi32>
    %swap3A_246 = vector.shape_cast %add3A_242 : vector<16xi32> to vector<16xi32>
    tpu.vector_store %arg6[%swap3A_243], %swap3A_246 {strides = array<i32>} : memref<128xi32, #tpu.memory_space<vmem>>, vector<16xi32>,
    %get3A_247 = arith.constant 208 : index
    %get3A_248 = tpu.vector_load %arg5[%get3A_247] {strides = array<i32>} : memref<512xi32, #tpu.memory_space<vmem>>, vector<16xi32>,
    %get3A_249 = vector.shape_cast %get3A_248 : vector<16xi32> to vector<16xi32>
    %add3A_250 = arith.constant 128 : i32
    %add3A_251 = arith.addi %mul3A_2, %add3A_250 : i32
    %add3A_252 = arith.constant 80 : i32
    %add3A_253 = arith.addi %add3A_251, %add3A_252 : i32
    %mul3A_254 = arith.constant 1000 : i32
    %mul3A_255 = arith.muli %add3A_253, %mul3A_254 : i32
    %add3A_256 = arith.addi %get3A_249, %mul3A_6 : vector<16xi32>
    %add3A_257 = vector.broadcast %mul3A_255 : i32 to vector<16xi32>
    %add3A_258 = arith.addi %add3A_256, %add3A_257 : vector<16xi32>
    %swap3A_259 = arith.constant 80 : index
    %swap3A_260 = tpu.vector_load %arg6[%swap3A_259] {strides = array<i32>} : memref<128xi32, #tpu.memory_space<vmem>>, vector<16xi32>,
    %swap3A_261 = vector.shape_cast %swap3A_260 : vector<16xi32> to vector<16xi32>
    %swap3A_262 = vector.shape_cast %add3A_258 : vector<16xi32> to vector<16xi32>
    tpu.vector_store %arg6[%swap3A_259], %swap3A_262 {strides = array<i32>} : memref<128xi32, #tpu.memory_space<vmem>>, vector<16xi32>,
    %get3A_263 = arith.constant 224 : index
    %get3A_264 = tpu.vector_load %arg5[%get3A_263] {strides = array<i32>} : memref<512xi32, #tpu.memory_space<vmem>>, vector<16xi32>,
    %get3A_265 = vector.shape_cast %get3A_264 : vector<16xi32> to vector<16xi32>
    %add3A_266 = arith.constant 128 : i32
    %add3A_267 = arith.addi %mul3A_2, %add3A_266 : i32
    %add3A_268 = arith.constant 96 : i32
    %add3A_269 = arith.addi %add3A_267, %add3A_268 : i32
    %mul3A_270 = arith.constant 1000 : i32
    %mul3A_271 = arith.muli %add3A_269, %mul3A_270 : i32
    %add3A_272 = arith.addi %get3A_265, %mul3A_6 : vector<16xi32>
    %add3A_273 = vector.broadcast %mul3A_271 : i32 to vector<16xi32>
    %add3A_274 = arith.addi %add3A_272, %add3A_273 : vector<16xi32>
    %swap3A_275 = arith.constant 96 : index
    %swap3A_276 = tpu.vector_load %arg6[%swap3A_275] {strides = array<i32>} : memref<128xi32, #tpu.memory_space<vmem>>, vector<16xi32>,
    %swap3A_277 = vector.shape_cast %swap3A_276 : vector<16xi32> to vector<16xi32>
    %swap3A_278 = vector.shape_cast %add3A_274 : vector<16xi32> to vector<16xi32>
    tpu.vector_store %arg6[%swap3A_275], %swap3A_278 {strides = array<i32>} : memref<128xi32, #tpu.memory_space<vmem>>, vector<16xi32>,
    %get3A_279 = arith.constant 240 : index
    %get3A_280 = tpu.vector_load %arg5[%get3A_279] {strides = array<i32>} : memref<512xi32, #tpu.memory_space<vmem>>, vector<16xi32>,
    %get3A_281 = vector.shape_cast %get3A_280 : vector<16xi32> to vector<16xi32>
    %add3A_282 = arith.constant 128 : i32
    %add3A_283 = arith.addi %mul3A_2, %add3A_282 : i32
    %add3A_284 = arith.constant 112 : i32
    %add3A_285 = arith.addi %add3A_283, %add3A_284 : i32
    %mul3A_286 = arith.constant 1000 : i32
    %mul3A_287 = arith.muli %add3A_285, %mul3A_286 : i32
    %add3A_288 = arith.addi %get3A_281, %mul3A_6 : vector<16xi32>
    %add3A_289 = vector.broadcast %mul3A_287 : i32 to vector<16xi32>
    %add3A_290 = arith.addi %add3A_288, %add3A_289 : vector<16xi32>
    %swap3A_291 = arith.constant 112 : index
    %swap3A_292 = tpu.vector_load %arg6[%swap3A_291] {strides = array<i32>} : memref<128xi32, #tpu.memory_space<vmem>>, vector<16xi32>,
    %swap3A_293 = vector.shape_cast %swap3A_292 : vector<16xi32> to vector<16xi32>
    %swap3A_294 = vector.shape_cast %add3A_290 : vector<16xi32> to vector<16xi32>
    tpu.vector_store %arg6[%swap3A_291], %swap3A_294 {strides = array<i32>} : memref<128xi32, #tpu.memory_space<vmem>>, vector<16xi32>,
    %dma_start3A_295 = arith.constant 0 : i32
    %dma_start3A_296 = tpu.memref_slice %arg2[%dma_start3A_295] : memref<16384000xf32, #tpu.memory_space<hbm>> -> memref<16384000xf32, #tpu.memory_space<hbm>>
    tpu.enqueue_indirect_dma source(%dma_start3A_296 : memref<16384000xf32, #tpu.memory_space<hbm>>) target(%arg7 : memref<128xf32, #tpu.memory_space<vmem>>) offsets(%arg6 : memref<128xi32, #tpu.memory_space<vmem>>) semaphore(%arg9 : memref<!tpu.dma_semaphore, #tpu.memory_space<semaphore_mem>>)
    %dma_wait3A_297 = arith.constant 0 : i32
    %dma_wait3A_298 = tpu.memref_slice %arg2[%dma_wait3A_297] : memref<16384000xf32, #tpu.memory_space<hbm>> -> memref<16384000xf32, #tpu.memory_space<hbm>>
    tpu.wait_indirect_dma semaphore(%arg9 : memref<!tpu.dma_semaphore, #tpu.memory_space<semaphore_mem>>) src(%dma_wait3A_298 : memref<16384000xf32, #tpu.memory_space<hbm>>) dst(%arg7 : memref<128xf32, #tpu.memory_space<vmem>>)
    %get3A_299 = arith.constant 0 : index
    %get3A_300 = tpu.vector_load %arg7[%get3A_299] {strides = array<i32>} : memref<128xf32, #tpu.memory_space<vmem>>, vector<16xf32>,
    %get3A_301 = vector.shape_cast %get3A_300 : vector<16xf32> to vector<16xf32>
    %add3A_302 = arith.addf %add3A_166, %get3A_301 : vector<16xf32>
    %get3A_303 = arith.constant 16 : index
    %get3A_304 = tpu.vector_load %arg7[%get3A_303] {strides = array<i32>} : memref<128xf32, #tpu.memory_space<vmem>>, vector<16xf32>,
    %get3A_305 = vector.shape_cast %get3A_304 : vector<16xf32> to vector<16xf32>
    %add3A_306 = arith.addf %add3A_302, %get3A_305 : vector<16xf32>
    %get3A_307 = arith.constant 32 : index
    %get3A_308 = tpu.vector_load %arg7[%get3A_307] {strides = array<i32>} : memref<128xf32, #tpu.memory_space<vmem>>, vector<16xf32>,
    %get3A_309 = vector.shape_cast %get3A_308 : vector<16xf32> to vector<16xf32>
    %add3A_310 = arith.addf %add3A_306, %get3A_309 : vector<16xf32>
    %get3A_311 = arith.constant 48 : index
    %get3A_312 = tpu.vector_load %arg7[%get3A_311] {strides = array<i32>} : memref<128xf32, #tpu.memory_space<vmem>>, vector<16xf32>,
    %get3A_313 = vector.shape_cast %get3A_312 : vector<16xf32> to vector<16xf32>
    %add3A_314 = arith.addf %add3A_310, %get3A_313 : vector<16xf32>
    %get3A_315 = arith.constant 64 : index
    %get3A_316 = tpu.vector_load %arg7[%get3A_315] {strides = array<i32>} : memref<128xf32, #tpu.memory_space<vmem>>, vector<16xf32>,
    %get3A_317 = vector.shape_cast %get3A_316 : vector<16xf32> to vector<16xf32>
    %add3A_318 = arith.addf %add3A_314, %get3A_317 : vector<16xf32>
    %get3A_319 = arith.constant 80 : index
    %get3A_320 = tpu.vector_load %arg7[%get3A_319] {strides = array<i32>} : memref<128xf32, #tpu.memory_space<vmem>>, vector<16xf32>,
    %get3A_321 = vector.shape_cast %get3A_320 : vector<16xf32> to vector<16xf32>
    %add3A_322 = arith.addf %add3A_318, %get3A_321 : vector<16xf32>
    %get3A_323 = arith.constant 96 : index
    %get3A_324 = tpu.vector_load %arg7[%get3A_323] {strides = array<i32>} : memref<128xf32, #tpu.memory_space<vmem>>, vector<16xf32>,
    %get3A_325 = vector.shape_cast %get3A_324 : vector<16xf32> to vector<16xf32>
    %add3A_326 = arith.addf %add3A_322, %get3A_325 : vector<16xf32>
    %get3A_327 = arith.constant 112 : index
    %get3A_328 = tpu.vector_load %arg7[%get3A_327] {strides = array<i32>} : memref<128xf32, #tpu.memory_space<vmem>>, vector<16xf32>,
    %get3A_329 = vector.shape_cast %get3A_328 : vector<16xf32> to vector<16xf32>
    %add3A_330 = arith.addf %add3A_326, %get3A_329 : vector<16xf32>
    %get3A_331 = arith.constant 256 : index
    %get3A_332 = tpu.vector_load %arg5[%get3A_331] {strides = array<i32>} : memref<512xi32, #tpu.memory_space<vmem>>, vector<16xi32>,
    %get3A_333 = vector.shape_cast %get3A_332 : vector<16xi32> to vector<16xi32>
    %add3A_334 = arith.constant 256 : i32
    %add3A_335 = arith.addi %mul3A_2, %add3A_334 : i32
    %add3A_336 = arith.constant 0 : i32
    %add3A_337 = arith.addi %add3A_335, %add3A_336 : i32
    %mul3A_338 = arith.constant 1000 : i32
    %mul3A_339 = arith.muli %add3A_337, %mul3A_338 : i32
    %add3A_340 = arith.addi %get3A_333, %mul3A_6 : vector<16xi32>
    %add3A_341 = vector.broadcast %mul3A_339 : i32 to vector<16xi32>
    %add3A_342 = arith.addi %add3A_340, %add3A_341 : vector<16xi32>
    %swap3A_343 = arith.constant 0 : index
    %swap3A_344 = tpu.vector_load %arg6[%swap3A_343] {strides = array<i32>} : memref<128xi32, #tpu.memory_space<vmem>>, vector<16xi32>,
    %swap3A_345 = vector.shape_cast %swap3A_344 : vector<16xi32> to vector<16xi32>
    %swap3A_346 = vector.shape_cast %add3A_342 : vector<16xi32> to vector<16xi32>
    tpu.vector_store %arg6[%swap3A_343], %swap3A_346 {strides = array<i32>} : memref<128xi32, #tpu.memory_space<vmem>>, vector<16xi32>,
    %get3A_347 = arith.constant 272 : index
    %get3A_348 = tpu.vector_load %arg5[%get3A_347] {strides = array<i32>} : memref<512xi32, #tpu.memory_space<vmem>>, vector<16xi32>,
    %get3A_349 = vector.shape_cast %get3A_348 : vector<16xi32> to vector<16xi32>
    %add3A_350 = arith.constant 256 : i32
    %add3A_351 = arith.addi %mul3A_2, %add3A_350 : i32
    %add3A_352 = arith.constant 16 : i32
    %add3A_353 = arith.addi %add3A_351, %add3A_352 : i32
    %mul3A_354 = arith.constant 1000 : i32
    %mul3A_355 = arith.muli %add3A_353, %mul3A_354 : i32
    %add3A_356 = arith.addi %get3A_349, %mul3A_6 : vector<16xi32>
    %add3A_357 = vector.broadcast %mul3A_355 : i32 to vector<16xi32>
    %add3A_358 = arith.addi %add3A_356, %add3A_357 : vector<16xi32>
    %swap3A_359 = arith.constant 16 : index
    %swap3A_360 = tpu.vector_load %arg6[%swap3A_359] {strides = array<i32>} : memref<128xi32, #tpu.memory_space<vmem>>, vector<16xi32>,
    %swap3A_361 = vector.shape_cast %swap3A_360 : vector<16xi32> to vector<16xi32>
    %swap3A_362 = vector.shape_cast %add3A_358 : vector<16xi32> to vector<16xi32>
    tpu.vector_store %arg6[%swap3A_359], %swap3A_362 {strides = array<i32>} : memref<128xi32, #tpu.memory_space<vmem>>, vector<16xi32>,
    %get3A_363 = arith.constant 288 : index
    %get3A_364 = tpu.vector_load %arg5[%get3A_363] {strides = array<i32>} : memref<512xi32, #tpu.memory_space<vmem>>, vector<16xi32>,
    %get3A_365 = vector.shape_cast %get3A_364 : vector<16xi32> to vector<16xi32>
    %add3A_366 = arith.constant 256 : i32
    %add3A_367 = arith.addi %mul3A_2, %add3A_366 : i32
    %add3A_368 = arith.constant 32 : i32
    %add3A_369 = arith.addi %add3A_367, %add3A_368 : i32
    %mul3A_370 = arith.constant 1000 : i32
    %mul3A_371 = arith.muli %add3A_369, %mul3A_370 : i32
    %add3A_372 = arith.addi %get3A_365, %mul3A_6 : vector<16xi32>
    %add3A_373 = vector.broadcast %mul3A_371 : i32 to vector<16xi32>
    %add3A_374 = arith.addi %add3A_372, %add3A_373 : vector<16xi32>
    %swap3A_375 = arith.constant 32 : index
    %swap3A_376 = tpu.vector_load %arg6[%swap3A_375] {strides = array<i32>} : memref<128xi32, #tpu.memory_space<vmem>>, vector<16xi32>,
    %swap3A_377 = vector.shape_cast %swap3A_376 : vector<16xi32> to vector<16xi32>
    %swap3A_378 = vector.shape_cast %add3A_374 : vector<16xi32> to vector<16xi32>
    tpu.vector_store %arg6[%swap3A_375], %swap3A_378 {strides = array<i32>} : memref<128xi32, #tpu.memory_space<vmem>>, vector<16xi32>,
    %get3A_379 = arith.constant 304 : index
    %get3A_380 = tpu.vector_load %arg5[%get3A_379] {strides = array<i32>} : memref<512xi32, #tpu.memory_space<vmem>>, vector<16xi32>,
    %get3A_381 = vector.shape_cast %get3A_380 : vector<16xi32> to vector<16xi32>
    %add3A_382 = arith.constant 256 : i32
    %add3A_383 = arith.addi %mul3A_2, %add3A_382 : i32
    %add3A_384 = arith.constant 48 : i32
    %add3A_385 = arith.addi %add3A_383, %add3A_384 : i32
    %mul3A_386 = arith.constant 1000 : i32
    %mul3A_387 = arith.muli %add3A_385, %mul3A_386 : i32
    %add3A_388 = arith.addi %get3A_381, %mul3A_6 : vector<16xi32>
    %add3A_389 = vector.broadcast %mul3A_387 : i32 to vector<16xi32>
    %add3A_390 = arith.addi %add3A_388, %add3A_389 : vector<16xi32>
    %swap3A_391 = arith.constant 48 : index
    %swap3A_392 = tpu.vector_load %arg6[%swap3A_391] {strides = array<i32>} : memref<128xi32, #tpu.memory_space<vmem>>, vector<16xi32>,
    %swap3A_393 = vector.shape_cast %swap3A_392 : vector<16xi32> to vector<16xi32>
    %swap3A_394 = vector.shape_cast %add3A_390 : vector<16xi32> to vector<16xi32>
    tpu.vector_store %arg6[%swap3A_391], %swap3A_394 {strides = array<i32>} : memref<128xi32, #tpu.memory_space<vmem>>, vector<16xi32>,
    %get3A_395 = arith.constant 320 : index
    %get3A_396 = tpu.vector_load %arg5[%get3A_395] {strides = array<i32>} : memref<512xi32, #tpu.memory_space<vmem>>, vector<16xi32>,
    %get3A_397 = vector.shape_cast %get3A_396 : vector<16xi32> to vector<16xi32>
    %add3A_398 = arith.constant 256 : i32
    %add3A_399 = arith.addi %mul3A_2, %add3A_398 : i32
    %add3A_400 = arith.constant 64 : i32
    %add3A_401 = arith.addi %add3A_399, %add3A_400 : i32
    %mul3A_402 = arith.constant 1000 : i32
    %mul3A_403 = arith.muli %add3A_401, %mul3A_402 : i32
    %add3A_404 = arith.addi %get3A_397, %mul3A_6 : vector<16xi32>
    %add3A_405 = vector.broadcast %mul3A_403 : i32 to vector<16xi32>
    %add3A_406 = arith.addi %add3A_404, %add3A_405 : vector<16xi32>
    %swap3A_407 = arith.constant 64 : index
    %swap3A_408 = tpu.vector_load %arg6[%swap3A_407] {strides = array<i32>} : memref<128xi32, #tpu.memory_space<vmem>>, vector<16xi32>,
    %swap3A_409 = vector.shape_cast %swap3A_408 : vector<16xi32> to vector<16xi32>
    %swap3A_410 = vector.shape_cast %add3A_406 : vector<16xi32> to vector<16xi32>
    tpu.vector_store %arg6[%swap3A_407], %swap3A_410 {strides = array<i32>} : memref<128xi32, #tpu.memory_space<vmem>>, vector<16xi32>,
    %get3A_411 = arith.constant 336 : index
    %get3A_412 = tpu.vector_load %arg5[%get3A_411] {strides = array<i32>} : memref<512xi32, #tpu.memory_space<vmem>>, vector<16xi32>,
    %get3A_413 = vector.shape_cast %get3A_412 : vector<16xi32> to vector<16xi32>
    %add3A_414 = arith.constant 256 : i32
    %add3A_415 = arith.addi %mul3A_2, %add3A_414 : i32
    %add3A_416 = arith.constant 80 : i32
    %add3A_417 = arith.addi %add3A_415, %add3A_416 : i32
    %mul3A_418 = arith.constant 1000 : i32
    %mul3A_419 = arith.muli %add3A_417, %mul3A_418 : i32
    %add3A_420 = arith.addi %get3A_413, %mul3A_6 : vector<16xi32>
    %add3A_421 = vector.broadcast %mul3A_419 : i32 to vector<16xi32>
    %add3A_422 = arith.addi %add3A_420, %add3A_421 : vector<16xi32>
    %swap3A_423 = arith.constant 80 : index
    %swap3A_424 = tpu.vector_load %arg6[%swap3A_423] {strides = array<i32>} : memref<128xi32, #tpu.memory_space<vmem>>, vector<16xi32>,
    %swap3A_425 = vector.shape_cast %swap3A_424 : vector<16xi32> to vector<16xi32>
    %swap3A_426 = vector.shape_cast %add3A_422 : vector<16xi32> to vector<16xi32>
    tpu.vector_store %arg6[%swap3A_423], %swap3A_426 {strides = array<i32>} : memref<128xi32, #tpu.memory_space<vmem>>, vector<16xi32>,
    %get3A_427 = arith.constant 352 : index
    %get3A_428 = tpu.vector_load %arg5[%get3A_427] {strides = array<i32>} : memref<512xi32, #tpu.memory_space<vmem>>, vector<16xi32>,
    %get3A_429 = vector.shape_cast %get3A_428 : vector<16xi32> to vector<16xi32>
    %add3A_430 = arith.constant 256 : i32
    %add3A_431 = arith.addi %mul3A_2, %add3A_430 : i32
    %add3A_432 = arith.constant 96 : i32
    %add3A_433 = arith.addi %add3A_431, %add3A_432 : i32
    %mul3A_434 = arith.constant 1000 : i32
    %mul3A_435 = arith.muli %add3A_433, %mul3A_434 : i32
    %add3A_436 = arith.addi %get3A_429, %mul3A_6 : vector<16xi32>
    %add3A_437 = vector.broadcast %mul3A_435 : i32 to vector<16xi32>
    %add3A_438 = arith.addi %add3A_436, %add3A_437 : vector<16xi32>
    %swap3A_439 = arith.constant 96 : index
    %swap3A_440 = tpu.vector_load %arg6[%swap3A_439] {strides = array<i32>} : memref<128xi32, #tpu.memory_space<vmem>>, vector<16xi32>,
    %swap3A_441 = vector.shape_cast %swap3A_440 : vector<16xi32> to vector<16xi32>
    %swap3A_442 = vector.shape_cast %add3A_438 : vector<16xi32> to vector<16xi32>
    tpu.vector_store %arg6[%swap3A_439], %swap3A_442 {strides = array<i32>} : memref<128xi32, #tpu.memory_space<vmem>>, vector<16xi32>,
    %get3A_443 = arith.constant 368 : index
    %get3A_444 = tpu.vector_load %arg5[%get3A_443] {strides = array<i32>} : memref<512xi32, #tpu.memory_space<vmem>>, vector<16xi32>,
    %get3A_445 = vector.shape_cast %get3A_444 : vector<16xi32> to vector<16xi32>
    %add3A_446 = arith.constant 256 : i32
    %add3A_447 = arith.addi %mul3A_2, %add3A_446 : i32
    %add3A_448 = arith.constant 112 : i32
    %add3A_449 = arith.addi %add3A_447, %add3A_448 : i32
    %mul3A_450 = arith.constant 1000 : i32
    %mul3A_451 = arith.muli %add3A_449, %mul3A_450 : i32
    %add3A_452 = arith.addi %get3A_445, %mul3A_6 : vector<16xi32>
    %add3A_453 = vector.broadcast %mul3A_451 : i32 to vector<16xi32>
    %add3A_454 = arith.addi %add3A_452, %add3A_453 : vector<16xi32>
    %swap3A_455 = arith.constant 112 : index
    %swap3A_456 = tpu.vector_load %arg6[%swap3A_455] {strides = array<i32>} : memref<128xi32, #tpu.memory_space<vmem>>, vector<16xi32>,
    %swap3A_457 = vector.shape_cast %swap3A_456 : vector<16xi32> to vector<16xi32>
    %swap3A_458 = vector.shape_cast %add3A_454 : vector<16xi32> to vector<16xi32>
    tpu.vector_store %arg6[%swap3A_455], %swap3A_458 {strides = array<i32>} : memref<128xi32, #tpu.memory_space<vmem>>, vector<16xi32>,
    %dma_start3A_459 = arith.constant 0 : i32
    %dma_start3A_460 = tpu.memref_slice %arg2[%dma_start3A_459] : memref<16384000xf32, #tpu.memory_space<hbm>> -> memref<16384000xf32, #tpu.memory_space<hbm>>
    tpu.enqueue_indirect_dma source(%dma_start3A_460 : memref<16384000xf32, #tpu.memory_space<hbm>>) target(%arg7 : memref<128xf32, #tpu.memory_space<vmem>>) offsets(%arg6 : memref<128xi32, #tpu.memory_space<vmem>>) semaphore(%arg9 : memref<!tpu.dma_semaphore, #tpu.memory_space<semaphore_mem>>)
    %dma_wait3A_461 = arith.constant 0 : i32
    %dma_wait3A_462 = tpu.memref_slice %arg2[%dma_wait3A_461] : memref<16384000xf32, #tpu.memory_space<hbm>> -> memref<16384000xf32, #tpu.memory_space<hbm>>
    tpu.wait_indirect_dma semaphore(%arg9 : memref<!tpu.dma_semaphore, #tpu.memory_space<semaphore_mem>>) src(%dma_wait3A_462 : memref<16384000xf32, #tpu.memory_space<hbm>>) dst(%arg7 : memref<128xf32, #tpu.memory_space<vmem>>)
    %get3A_463 = arith.constant 0 : index
    %get3A_464 = tpu.vector_load %arg7[%get3A_463] {strides = array<i32>} : memref<128xf32, #tpu.memory_space<vmem>>, vector<16xf32>,
    %get3A_465 = vector.shape_cast %get3A_464 : vector<16xf32> to vector<16xf32>
    %add3A_466 = arith.addf %add3A_330, %get3A_465 : vector<16xf32>
    %get3A_467 = arith.constant 16 : index
    %get3A_468 = tpu.vector_load %arg7[%get3A_467] {strides = array<i32>} : memref<128xf32, #tpu.memory_space<vmem>>, vector<16xf32>,
    %get3A_469 = vector.shape_cast %get3A_468 : vector<16xf32> to vector<16xf32>
    %add3A_470 = arith.addf %add3A_466, %get3A_469 : vector<16xf32>
    %get3A_471 = arith.constant 32 : index
    %get3A_472 = tpu.vector_load %arg7[%get3A_471] {strides = array<i32>} : memref<128xf32, #tpu.memory_space<vmem>>, vector<16xf32>,
    %get3A_473 = vector.shape_cast %get3A_472 : vector<16xf32> to vector<16xf32>
    %add3A_474 = arith.addf %add3A_470, %get3A_473 : vector<16xf32>
    %get3A_475 = arith.constant 48 : index
    %get3A_476 = tpu.vector_load %arg7[%get3A_475] {strides = array<i32>} : memref<128xf32, #tpu.memory_space<vmem>>, vector<16xf32>,
    %get3A_477 = vector.shape_cast %get3A_476 : vector<16xf32> to vector<16xf32>
    %add3A_478 = arith.addf %add3A_474, %get3A_477 : vector<16xf32>
    %get3A_479 = arith.constant 64 : index
    %get3A_480 = tpu.vector_load %arg7[%get3A_479] {strides = array<i32>} : memref<128xf32, #tpu.memory_space<vmem>>, vector<16xf32>,
    %get3A_481 = vector.shape_cast %get3A_480 : vector<16xf32> to vector<16xf32>
    %add3A_482 = arith.addf %add3A_478, %get3A_481 : vector<16xf32>
    %get3A_483 = arith.constant 80 : index
    %get3A_484 = tpu.vector_load %arg7[%get3A_483] {strides = array<i32>} : memref<128xf32, #tpu.memory_space<vmem>>, vector<16xf32>,
    %get3A_485 = vector.shape_cast %get3A_484 : vector<16xf32> to vector<16xf32>
    %add3A_486 = arith.addf %add3A_482, %get3A_485 : vector<16xf32>
    %get3A_487 = arith.constant 96 : index
    %get3A_488 = tpu.vector_load %arg7[%get3A_487] {strides = array<i32>} : memref<128xf32, #tpu.memory_space<vmem>>, vector<16xf32>,
    %get3A_489 = vector.shape_cast %get3A_488 : vector<16xf32> to vector<16xf32>
    %add3A_490 = arith.addf %add3A_486, %get3A_489 : vector<16xf32>
    %get3A_491 = arith.constant 112 : index
    %get3A_492 = tpu.vector_load %arg7[%get3A_491] {strides = array<i32>} : memref<128xf32, #tpu.memory_space<vmem>>, vector<16xf32>,
    %get3A_493 = vector.shape_cast %get3A_492 : vector<16xf32> to vector<16xf32>
    %add3A_494 = arith.addf %add3A_490, %get3A_493 : vector<16xf32>
    %get3A_495 = arith.constant 384 : index
    %get3A_496 = tpu.vector_load %arg5[%get3A_495] {strides = array<i32>} : memref<512xi32, #tpu.memory_space<vmem>>, vector<16xi32>,
    %get3A_497 = vector.shape_cast %get3A_496 : vector<16xi32> to vector<16xi32>
    %add3A_498 = arith.constant 384 : i32
    %add3A_499 = arith.addi %mul3A_2, %add3A_498 : i32
    %add3A_500 = arith.constant 0 : i32
    %add3A_501 = arith.addi %add3A_499, %add3A_500 : i32
    %mul3A_502 = arith.constant 1000 : i32
    %mul3A_503 = arith.muli %add3A_501, %mul3A_502 : i32
    %add3A_504 = arith.addi %get3A_497, %mul3A_6 : vector<16xi32>
    %add3A_505 = vector.broadcast %mul3A_503 : i32 to vector<16xi32>
    %add3A_506 = arith.addi %add3A_504, %add3A_505 : vector<16xi32>
    %swap3A_507 = arith.constant 0 : index
    %swap3A_508 = tpu.vector_load %arg6[%swap3A_507] {strides = array<i32>} : memref<128xi32, #tpu.memory_space<vmem>>, vector<16xi32>,
    %swap3A_509 = vector.shape_cast %swap3A_508 : vector<16xi32> to vector<16xi32>
    %swap3A_510 = vector.shape_cast %add3A_506 : vector<16xi32> to vector<16xi32>
    tpu.vector_store %arg6[%swap3A_507], %swap3A_510 {strides = array<i32>} : memref<128xi32, #tpu.memory_space<vmem>>, vector<16xi32>,
    %get3A_511 = arith.constant 400 : index
    %get3A_512 = tpu.vector_load %arg5[%get3A_511] {strides = array<i32>} : memref<512xi32, #tpu.memory_space<vmem>>, vector<16xi32>,
    %get3A_513 = vector.shape_cast %get3A_512 : vector<16xi32> to vector<16xi32>
    %add3A_514 = arith.constant 384 : i32
    %add3A_515 = arith.addi %mul3A_2, %add3A_514 : i32
    %add3A_516 = arith.constant 16 : i32
    %add3A_517 = arith.addi %add3A_515, %add3A_516 : i32
    %mul3A_518 = arith.constant 1000 : i32
    %mul3A_519 = arith.muli %add3A_517, %mul3A_518 : i32
    %add3A_520 = arith.addi %get3A_513, %mul3A_6 : vector<16xi32>
    %add3A_521 = vector.broadcast %mul3A_519 : i32 to vector<16xi32>
    %add3A_522 = arith.addi %add3A_520, %add3A_521 : vector<16xi32>
    %swap3A_523 = arith.constant 16 : index
    %swap3A_524 = tpu.vector_load %arg6[%swap3A_523] {strides = array<i32>} : memref<128xi32, #tpu.memory_space<vmem>>, vector<16xi32>,
    %swap3A_525 = vector.shape_cast %swap3A_524 : vector<16xi32> to vector<16xi32>
    %swap3A_526 = vector.shape_cast %add3A_522 : vector<16xi32> to vector<16xi32>
    tpu.vector_store %arg6[%swap3A_523], %swap3A_526 {strides = array<i32>} : memref<128xi32, #tpu.memory_space<vmem>>, vector<16xi32>,
    %get3A_527 = arith.constant 416 : index
    %get3A_528 = tpu.vector_load %arg5[%get3A_527] {strides = array<i32>} : memref<512xi32, #tpu.memory_space<vmem>>, vector<16xi32>,
    %get3A_529 = vector.shape_cast %get3A_528 : vector<16xi32> to vector<16xi32>
    %add3A_530 = arith.constant 384 : i32
    %add3A_531 = arith.addi %mul3A_2, %add3A_530 : i32
    %add3A_532 = arith.constant 32 : i32
    %add3A_533 = arith.addi %add3A_531, %add3A_532 : i32
    %mul3A_534 = arith.constant 1000 : i32
    %mul3A_535 = arith.muli %add3A_533, %mul3A_534 : i32
    %add3A_536 = arith.addi %get3A_529, %mul3A_6 : vector<16xi32>
    %add3A_537 = vector.broadcast %mul3A_535 : i32 to vector<16xi32>
    %add3A_538 = arith.addi %add3A_536, %add3A_537 : vector<16xi32>
    %swap3A_539 = arith.constant 32 : index
    %swap3A_540 = tpu.vector_load %arg6[%swap3A_539] {strides = array<i32>} : memref<128xi32, #tpu.memory_space<vmem>>, vector<16xi32>,
    %swap3A_541 = vector.shape_cast %swap3A_540 : vector<16xi32> to vector<16xi32>
    %swap3A_542 = vector.shape_cast %add3A_538 : vector<16xi32> to vector<16xi32>
    tpu.vector_store %arg6[%swap3A_539], %swap3A_542 {strides = array<i32>} : memref<128xi32, #tpu.memory_space<vmem>>, vector<16xi32>,
    %get3A_543 = arith.constant 432 : index
    %get3A_544 = tpu.vector_load %arg5[%get3A_543] {strides = array<i32>} : memref<512xi32, #tpu.memory_space<vmem>>, vector<16xi32>,
    %get3A_545 = vector.shape_cast %get3A_544 : vector<16xi32> to vector<16xi32>
    %add3A_546 = arith.constant 384 : i32
    %add3A_547 = arith.addi %mul3A_2, %add3A_546 : i32
    %add3A_548 = arith.constant 48 : i32
    %add3A_549 = arith.addi %add3A_547, %add3A_548 : i32
    %mul3A_550 = arith.constant 1000 : i32
    %mul3A_551 = arith.muli %add3A_549, %mul3A_550 : i32
    %add3A_552 = arith.addi %get3A_545, %mul3A_6 : vector<16xi32>
    %add3A_553 = vector.broadcast %mul3A_551 : i32 to vector<16xi32>
    %add3A_554 = arith.addi %add3A_552, %add3A_553 : vector<16xi32>
    %swap3A_555 = arith.constant 48 : index
    %swap3A_556 = tpu.vector_load %arg6[%swap3A_555] {strides = array<i32>} : memref<128xi32, #tpu.memory_space<vmem>>, vector<16xi32>,
    %swap3A_557 = vector.shape_cast %swap3A_556 : vector<16xi32> to vector<16xi32>
    %swap3A_558 = vector.shape_cast %add3A_554 : vector<16xi32> to vector<16xi32>
    tpu.vector_store %arg6[%swap3A_555], %swap3A_558 {strides = array<i32>} : memref<128xi32, #tpu.memory_space<vmem>>, vector<16xi32>,
    %get3A_559 = arith.constant 448 : index
    %get3A_560 = tpu.vector_load %arg5[%get3A_559] {strides = array<i32>} : memref<512xi32, #tpu.memory_space<vmem>>, vector<16xi32>,
    %get3A_561 = vector.shape_cast %get3A_560 : vector<16xi32> to vector<16xi32>
    %add3A_562 = arith.constant 384 : i32
    %add3A_563 = arith.addi %mul3A_2, %add3A_562 : i32
    %add3A_564 = arith.constant 64 : i32
    %add3A_565 = arith.addi %add3A_563, %add3A_564 : i32
    %mul3A_566 = arith.constant 1000 : i32
    %mul3A_567 = arith.muli %add3A_565, %mul3A_566 : i32
    %add3A_568 = arith.addi %get3A_561, %mul3A_6 : vector<16xi32>
    %add3A_569 = vector.broadcast %mul3A_567 : i32 to vector<16xi32>
    %add3A_570 = arith.addi %add3A_568, %add3A_569 : vector<16xi32>
    %swap3A_571 = arith.constant 64 : index
    %swap3A_572 = tpu.vector_load %arg6[%swap3A_571] {strides = array<i32>} : memref<128xi32, #tpu.memory_space<vmem>>, vector<16xi32>,
    %swap3A_573 = vector.shape_cast %swap3A_572 : vector<16xi32> to vector<16xi32>
    %swap3A_574 = vector.shape_cast %add3A_570 : vector<16xi32> to vector<16xi32>
    tpu.vector_store %arg6[%swap3A_571], %swap3A_574 {strides = array<i32>} : memref<128xi32, #tpu.memory_space<vmem>>, vector<16xi32>,
    %get3A_575 = arith.constant 464 : index
    %get3A_576 = tpu.vector_load %arg5[%get3A_575] {strides = array<i32>} : memref<512xi32, #tpu.memory_space<vmem>>, vector<16xi32>,
    %get3A_577 = vector.shape_cast %get3A_576 : vector<16xi32> to vector<16xi32>
    %add3A_578 = arith.constant 384 : i32
    %add3A_579 = arith.addi %mul3A_2, %add3A_578 : i32
    %add3A_580 = arith.constant 80 : i32
    %add3A_581 = arith.addi %add3A_579, %add3A_580 : i32
    %mul3A_582 = arith.constant 1000 : i32
    %mul3A_583 = arith.muli %add3A_581, %mul3A_582 : i32
    %add3A_584 = arith.addi %get3A_577, %mul3A_6 : vector<16xi32>
    %add3A_585 = vector.broadcast %mul3A_583 : i32 to vector<16xi32>
    %add3A_586 = arith.addi %add3A_584, %add3A_585 : vector<16xi32>
    %swap3A_587 = arith.constant 80 : index
    %swap3A_588 = tpu.vector_load %arg6[%swap3A_587] {strides = array<i32>} : memref<128xi32, #tpu.memory_space<vmem>>, vector<16xi32>,
    %swap3A_589 = vector.shape_cast %swap3A_588 : vector<16xi32> to vector<16xi32>
    %swap3A_590 = vector.shape_cast %add3A_586 : vector<16xi32> to vector<16xi32>
    tpu.vector_store %arg6[%swap3A_587], %swap3A_590 {strides = array<i32>} : memref<128xi32, #tpu.memory_space<vmem>>, vector<16xi32>,
    %get3A_591 = arith.constant 480 : index
    %get3A_592 = tpu.vector_load %arg5[%get3A_591] {strides = array<i32>} : memref<512xi32, #tpu.memory_space<vmem>>, vector<16xi32>,
    %get3A_593 = vector.shape_cast %get3A_592 : vector<16xi32> to vector<16xi32>
    %add3A_594 = arith.constant 384 : i32
    %add3A_595 = arith.addi %mul3A_2, %add3A_594 : i32
    %add3A_596 = arith.constant 96 : i32
    %add3A_597 = arith.addi %add3A_595, %add3A_596 : i32
    %mul3A_598 = arith.constant 1000 : i32
    %mul3A_599 = arith.muli %add3A_597, %mul3A_598 : i32
    %add3A_600 = arith.addi %get3A_593, %mul3A_6 : vector<16xi32>
    %add3A_601 = vector.broadcast %mul3A_599 : i32 to vector<16xi32>
    %add3A_602 = arith.addi %add3A_600, %add3A_601 : vector<16xi32>
    %swap3A_603 = arith.constant 96 : index
    %swap3A_604 = tpu.vector_load %arg6[%swap3A_603] {strides = array<i32>} : memref<128xi32, #tpu.memory_space<vmem>>, vector<16xi32>,
    %swap3A_605 = vector.shape_cast %swap3A_604 : vector<16xi32> to vector<16xi32>
    %swap3A_606 = vector.shape_cast %add3A_602 : vector<16xi32> to vector<16xi32>
    tpu.vector_store %arg6[%swap3A_603], %swap3A_606 {strides = array<i32>} : memref<128xi32, #tpu.memory_space<vmem>>, vector<16xi32>,
    %get3A_607 = arith.constant 496 : index
    %get3A_608 = tpu.vector_load %arg5[%get3A_607] {strides = array<i32>} : memref<512xi32, #tpu.memory_space<vmem>>, vector<16xi32>,
    %get3A_609 = vector.shape_cast %get3A_608 : vector<16xi32> to vector<16xi32>
    %add3A_610 = arith.constant 384 : i32
    %add3A_611 = arith.addi %mul3A_2, %add3A_610 : i32
    %add3A_612 = arith.constant 112 : i32
    %add3A_613 = arith.addi %add3A_611, %add3A_612 : i32
    %mul3A_614 = arith.constant 1000 : i32
    %mul3A_615 = arith.muli %add3A_613, %mul3A_614 : i32
    %add3A_616 = arith.addi %get3A_609, %mul3A_6 : vector<16xi32>
    %add3A_617 = vector.broadcast %mul3A_615 : i32 to vector<16xi32>
    %add3A_618 = arith.addi %add3A_616, %add3A_617 : vector<16xi32>
    %swap3A_619 = arith.constant 112 : index
    %swap3A_620 = tpu.vector_load %arg6[%swap3A_619] {strides = array<i32>} : memref<128xi32, #tpu.memory_space<vmem>>, vector<16xi32>,
    %swap3A_621 = vector.shape_cast %swap3A_620 : vector<16xi32> to vector<16xi32>
    %swap3A_622 = vector.shape_cast %add3A_618 : vector<16xi32> to vector<16xi32>
    tpu.vector_store %arg6[%swap3A_619], %swap3A_622 {strides = array<i32>} : memref<128xi32, #tpu.memory_space<vmem>>, vector<16xi32>,
    %dma_start3A_623 = arith.constant 0 : i32
    %dma_start3A_624 = tpu.memref_slice %arg2[%dma_start3A_623] : memref<16384000xf32, #tpu.memory_space<hbm>> -> memref<16384000xf32, #tpu.memory_space<hbm>>
    tpu.enqueue_indirect_dma source(%dma_start3A_624 : memref<16384000xf32, #tpu.memory_space<hbm>>) target(%arg7 : memref<128xf32, #tpu.memory_space<vmem>>) offsets(%arg6 : memref<128xi32, #tpu.memory_space<vmem>>) semaphore(%arg9 : memref<!tpu.dma_semaphore, #tpu.memory_space<semaphore_mem>>)
    %dma_wait3A_625 = arith.constant 0 : i32
    %dma_wait3A_626 = tpu.memref_slice %arg2[%dma_wait3A_625] : memref<16384000xf32, #tpu.memory_space<hbm>> -> memref<16384000xf32, #tpu.memory_space<hbm>>
    tpu.wait_indirect_dma semaphore(%arg9 : memref<!tpu.dma_semaphore, #tpu.memory_space<semaphore_mem>>) src(%dma_wait3A_626 : memref<16384000xf32, #tpu.memory_space<hbm>>) dst(%arg7 : memref<128xf32, #tpu.memory_space<vmem>>)
    %get3A_627 = arith.constant 0 : index
    %get3A_628 = tpu.vector_load %arg7[%get3A_627] {strides = array<i32>} : memref<128xf32, #tpu.memory_space<vmem>>, vector<16xf32>,
    %get3A_629 = vector.shape_cast %get3A_628 : vector<16xf32> to vector<16xf32>
    %add3A_630 = arith.addf %add3A_494, %get3A_629 : vector<16xf32>
    %get3A_631 = arith.constant 16 : index
    %get3A_632 = tpu.vector_load %arg7[%get3A_631] {strides = array<i32>} : memref<128xf32, #tpu.memory_space<vmem>>, vector<16xf32>,
    %get3A_633 = vector.shape_cast %get3A_632 : vector<16xf32> to vector<16xf32>
    %add3A_634 = arith.addf %add3A_630, %get3A_633 : vector<16xf32>
    %get3A_635 = arith.constant 32 : index
    %get3A_636 = tpu.vector_load %arg7[%get3A_635] {strides = array<i32>} : memref<128xf32, #tpu.memory_space<vmem>>, vector<16xf32>,
    %get3A_637 = vector.shape_cast %get3A_636 : vector<16xf32> to vector<16xf32>
    %add3A_638 = arith.addf %add3A_634, %get3A_637 : vector<16xf32>
    %get3A_639 = arith.constant 48 : index
    %get3A_640 = tpu.vector_load %arg7[%get3A_639] {strides = array<i32>} : memref<128xf32, #tpu.memory_space<vmem>>, vector<16xf32>,
    %get3A_641 = vector.shape_cast %get3A_640 : vector<16xf32> to vector<16xf32>
    %add3A_642 = arith.addf %add3A_638, %get3A_641 : vector<16xf32>
    %get3A_643 = arith.constant 64 : index
    %get3A_644 = tpu.vector_load %arg7[%get3A_643] {strides = array<i32>} : memref<128xf32, #tpu.memory_space<vmem>>, vector<16xf32>,
    %get3A_645 = vector.shape_cast %get3A_644 : vector<16xf32> to vector<16xf32>
    %add3A_646 = arith.addf %add3A_642, %get3A_645 : vector<16xf32>
    %get3A_647 = arith.constant 80 : index
    %get3A_648 = tpu.vector_load %arg7[%get3A_647] {strides = array<i32>} : memref<128xf32, #tpu.memory_space<vmem>>, vector<16xf32>,
    %get3A_649 = vector.shape_cast %get3A_648 : vector<16xf32> to vector<16xf32>
    %add3A_650 = arith.addf %add3A_646, %get3A_649 : vector<16xf32>
    %get3A_651 = arith.constant 96 : index
    %get3A_652 = tpu.vector_load %arg7[%get3A_651] {strides = array<i32>} : memref<128xf32, #tpu.memory_space<vmem>>, vector<16xf32>,
    %get3A_653 = vector.shape_cast %get3A_652 : vector<16xf32> to vector<16xf32>
    %add3A_654 = arith.addf %add3A_650, %get3A_653 : vector<16xf32>
    %get3A_655 = arith.constant 112 : index
    %get3A_656 = tpu.vector_load %arg7[%get3A_655] {strides = array<i32>} : memref<128xf32, #tpu.memory_space<vmem>>, vector<16xf32>,
    %get3A_657 = vector.shape_cast %get3A_656 : vector<16xf32> to vector<16xf32>
    %add3A_658 = arith.addf %add3A_654, %get3A_657 : vector<16xf32>
    %swap3A_659 = arith.constant 0 : index
    %swap3A_660 = tpu.vector_load %arg8[%swap3A_659] {strides = array<i32>} : memref<16xf32, #tpu.memory_space<vmem>>, vector<16xf32>,
    %swap3A_661 = vector.shape_cast %swap3A_660 : vector<16xf32> to vector<16xf32>
    %swap3A_662 = vector.shape_cast %add3A_658 : vector<16xf32> to vector<16xf32>
    tpu.vector_store %arg8[%swap3A_659], %swap3A_662 {strides = array<i32>} : memref<16xf32, #tpu.memory_space<vmem>>, vector<16xf32>,
    "tpu.region"() ({
      %run_scoped3A = tpu.sem_alloc : memref<!tpu.dma_semaphore, #tpu.memory_space<semaphore_mem>>
      %dma_start3A_663 = arith.constant 0 : i32
      %dma_start3A_664 = tpu.memref_slice %arg4[%add3A, %dma_start3A_663] : memref<32x16xf32, #tpu.memory_space<hbm>> -> memref<1x16xf32, #tpu.memory_space<hbm>>
      %dma_start3A_665 = tpu.memref_squeeze %dma_start3A_664 : memref<1x16xf32, #tpu.memory_space<hbm>> -> memref<16xf32, #tpu.memory_space<hbm>>
      %dma_start3A_666 = arith.constant 0 : i32
      %dma_start3A_667 = tpu.memref_slice %arg4[%add3A, %dma_start3A_666] : memref<32x16xf32, #tpu.memory_space<hbm>> -> memref<1x16xf32, #tpu.memory_space<hbm>>
      %dma_start3A_668 = tpu.memref_squeeze %dma_start3A_667 : memref<1x16xf32, #tpu.memory_space<hbm>> -> memref<16xf32, #tpu.memory_space<hbm>>
      tpu.enqueue_dma source(%arg8 : memref<16xf32, #tpu.memory_space<vmem>>) target(%dma_start3A_668 : memref<16xf32, #tpu.memory_space<hbm>>) target_semaphore(%run_scoped3A : memref<!tpu.dma_semaphore, #tpu.memory_space<semaphore_mem>>)
      %dma_wait3A_669 = arith.constant 0 : i32
      %dma_wait3A_670 = tpu.memref_slice %arg4[%add3A, %dma_wait3A_669] : memref<32x16xf32, #tpu.memory_space<hbm>> -> memref<1x16xf32, #tpu.memory_space<hbm>>
      %dma_wait3A_671 = tpu.memref_squeeze %dma_wait3A_670 : memref<1x16xf32, #tpu.memory_space<hbm>> -> memref<16xf32, #tpu.memory_space<hbm>>
      %dma_wait3A_672 = arith.constant 0 : i32
      %dma_wait3A_673 = tpu.memref_slice %arg4[%add3A, %dma_wait3A_672] : memref<32x16xf32, #tpu.memory_space<hbm>> -> memref<1x16xf32, #tpu.memory_space<hbm>>
      %dma_wait3A_674 = tpu.memref_squeeze %dma_wait3A_673 : memref<1x16xf32, #tpu.memory_space<hbm>> -> memref<16xf32, #tpu.memory_space<hbm>>
      tpu.wait_dma2 semaphore(%run_scoped3A : memref<!tpu.dma_semaphore, #tpu.memory_space<semaphore_mem>>) src(%arg8 : memref<16xf32, #tpu.memory_space<vmem>>) dst(%dma_wait3A_674 : memref<16xf32, #tpu.memory_space<hbm>>)
      tpu.yield
    }) : () -> ()
    return
  }
}

module attributes {stable_mosaic.version = 14 : i64} {
  func.func @_tc_body(%arg0: i32, %arg1: memref<512x1000xf32, #tpu.memory_space<vmem>>, %arg2: memref<1x1xf32, #tpu.memory_space<smem>>) attributes {dimension_semantics = [#tpu.dimension_semantics<arbitrary>], iteration_bounds = array<i64: 32>, scalar_prefetch = 0 : i64, scratch_operands = 0 : i64, tpu.core_type = #tpu.core_type<tc>, window_params = [{transform_indices = @transform_0, window_bounds = array<i64: 512, 1000>}, {transform_indices = @transform_1, window_bounds = array<i64: 1, 1>}]} {
    %get3A = arith.constant 0 : index
    %get3A_0 = arith.constant 0 : index
    %get3A_1 = vector.load %arg1[%get3A, %get3A_0] : memref<512x1000xf32, #tpu.memory_space<vmem>>, vector<512x1000xf32>
    %reduce_max3A = arith.constant dense<0xFF800000> : vector<512xf32>
    %reduce_max3A_2 = vector.multi_reduction <maximumf>, %get3A_1, %reduce_max3A [1] : vector<512x1000xf32> to vector<512xf32>
    %broadcast_in_dim3A = vector.shape_cast %reduce_max3A_2 : vector<512xf32> to vector<512x1xf32>
    %sub3A = vector.broadcast %broadcast_in_dim3A : vector<512x1xf32> to vector<512x1000xf32>
    %sub3A_3 = arith.subf %get3A_1, %sub3A : vector<512x1000xf32>
    %exp3A = math.exp %sub3A_3 : vector<512x1000xf32>
    %reduce_sum3A = arith.constant dense<0.000000e+00> : vector<512xf32>
    %reduce_sum3A_4 = vector.multi_reduction <add>, %exp3A, %reduce_sum3A [1] : vector<512x1000xf32> to vector<512xf32>
    %squeeze3A = vector.shape_cast %broadcast_in_dim3A : vector<512x1xf32> to vector<512xf32>
    %log3A = math.log %reduce_sum3A_4 : vector<512xf32>
    %add3A = arith.addf %squeeze3A, %log3A : vector<512xf32>
    %reduce_sum3A_5 = arith.constant dense<0.000000e+00> : vector<512xf32>
    %reduce_sum3A_6 = vector.multi_reduction <add>, %get3A_1, %reduce_sum3A_5 [1] : vector<512x1000xf32> to vector<512xf32>
    %mul3A = arith.constant 1.000000e+00 : f32
    %mul3A_7 = vector.broadcast %mul3A : f32 to vector<512xf32>
    %mul3A_8 = arith.mulf %mul3A_7, %add3A : vector<512xf32>
    %mul3A_9 = arith.constant 1.001001E-4 : f32
    %mul3A_10 = vector.broadcast %mul3A_9 : f32 to vector<512xf32>
    %mul3A_11 = arith.mulf %mul3A_10, %reduce_sum3A_6 : vector<512xf32>
    %sub3A_12 = arith.subf %mul3A_8, %mul3A_11 : vector<512xf32>
    %reduce_sum3A_13 = vector.shape_cast %sub3A_12 : vector<512xf32> to vector<1x512xf32>
    %reduce_sum3A_14 = arith.constant dense<0.000000e+00> : vector<1xf32>
    %reduce_sum3A_15 = vector.multi_reduction <add>, %reduce_sum3A_13, %reduce_sum3A_14 [1] : vector<1x512xf32> to vector<1xf32>
    %reduce_sum3A_16 = vector.shape_cast %reduce_sum3A_15 : vector<1xf32> to vector<1x1xf32>
    %reduce_sum3A_17 = vector.extract %reduce_sum3A_16[0, 0] : f32 from vector<1x1xf32>
    %eq3A = arith.constant 0 : i32
    %eq3A_18 = arith.cmpi eq, %arg0, %eq3A : i32
    %convert_element_type3A = arith.extui %eq3A_18 : i1 to i32
    %cond3A = arith.constant 0 : i32
    %cond3A_19 = arith.cmpi ne, %convert_element_type3A, %cond3A : i32
    scf.if %cond3A_19 {
      %swap3A_26 = arith.constant 0.000000e+00 : f32
      %swap3A_27 = arith.constant 0 : index
      %swap3A_28 = arith.constant 0 : index
      %swap3A_29 = memref.load %arg2[%swap3A_27, %swap3A_28] : memref<1x1xf32, #tpu.memory_space<smem>>
      memref.store %swap3A_26, %arg2[%swap3A_27, %swap3A_28] : memref<1x1xf32, #tpu.memory_space<smem>>
    } else {
    }
    %get3A_20 = arith.constant 0 : index
    %get3A_21 = arith.constant 0 : index
    %get3A_22 = memref.load %arg2[%get3A_20, %get3A_21] : memref<1x1xf32, #tpu.memory_space<smem>>
    %add3A_23 = arith.addf %get3A_22, %reduce_sum3A_17 : f32
    %swap3A = arith.constant 0 : index
    %swap3A_24 = arith.constant 0 : index
    %swap3A_25 = memref.load %arg2[%swap3A, %swap3A_24] : memref<1x1xf32, #tpu.memory_space<smem>>
    memref.store %add3A_23, %arg2[%swap3A, %swap3A_24] : memref<1x1xf32, #tpu.memory_space<smem>>
    return
  }
  func.func @transform_0(%arg0: i32) -> (i32, i32) {
    %c0_i32 = arith.constant 0 : i32
    %c0_i32_0 = arith.constant 0 : i32
    return %arg0, %c0_i32 : i32, i32
  }
  func.func @transform_1(%arg0: i32) -> (i32, i32) {
    %c0_i32 = arith.constant 0 : i32
    %c0_i32_0 = arith.constant 0 : i32
    %c0_i32_1 = arith.constant 0 : i32
    return %c0_i32, %c0_i32_0 : i32, i32
  }
}

</mosaic_0001>

<sc_bundles>
// kernel: kernel.4.cloned.1.call-start
scs
__scs_entry_jumppad:
0x0: {  	(pc) =	sbr.rel $0x88, $3  }
0x1: {  	(tag) =	ssettag $0x0;
	lr =	simm.s32 $0x1  }
0x2: {  	[smem:$0x3F9F] =	sst lr;
	_ =	strace $0xD0000000  }
0x3: {  	_ = 	snop  }
0x4: {  	_ = 	snop  }
0x5: {  	_ = 	snop  }
0x6: {  	_ = 	snop  }
0x7: {  	_ = 	snop  }
__scs_overlays_trampoline_lowered:
0x8: {  	[smem:$0x3FAE] =	sst s0  }
0x9: {  	[smem:$0x3FAF] =	sst s1  }
0xa: {  	[smem:$0x3FB0] =	sst s2  }
0xb: {  	[smem:$0x3FB1] =	sst s3  }
0xc: {  	[smem:$0x3FB2] =	sst s4  }
0xd: {  	[smem:$0x3FB3] =	sst s5  }
0xe: {  	[smem:$0x3FB4] =	sst s6  }
0xf: {  	[smem:$0x3FB5] =	sst s7  }
0x10: {  	[smem:$0x3FB6] =	sst s8  }
0x11: {  	[smem:$0x3FB7] =	sst s9;
	s0 =	simm.s32 @!p0 $0x0  }
0x12: {  	s1 =	sld [smem:$0x3F9D];
	s0 =	simm.s32 @p0 $0x1  }
0x13: {  	[smem:$0x3FB8] =	sst s0;
	s0 =	simm.s32 @!p1 $0x0  }
0x14: {  	s2 =	sld [smem:$0x3F9C];
	s0 =	simm.s32 @p1 $0x1  }
0x15: {  	[smem:$0x3FB9] =	sst s0;
	s0 =	simm.s32 @!p2 $0x0  }
0x16: {  	s3 =	sld [smem:$0x3FDB];
	s0 =	simm.s32 @p2 $0x1  }
0x17: {  	s4 =	simm.s32 $0x1BF5;
	[smem:$0x3FBB] =	sst s0  }
0x18: {  	s0 =	sld [smem:$0x3F9E];
	_ =	swait.ge [sflag:s4], $0x0  }
0x19: {  	s7 =	sld [smem:$0x3F9F]  }
0x1a: {  	s8 =	sadd.s32 $0xFFFFE003, lr  }
0x1b: {  	s9 =	sadd.s32 $0xFFFFFEF7, lr;
	s5 =	simm.s32 $0xFFFFFFFF;
	p2 =	slt.u32 s8, $0xFFFFF086  }
0x1c: {  	p1 =	slt.u32 s9, $0xF7A;
	s5 =	simm.s32 @!p2 $0x0  }
0x1d: {  	s5 =	simm.s32 @p1 $0x1;
	p0 =	seq.s32 s7, s2  }
0x1e: {  	s7 =	smul.u32 @!p0 $0xF7A, s2;
	p2 =	seq.s32 @!p0 s5, $0x0  }
0x1f: {  	s9 =	smul.u32 $0xF7A, s1;
	s8 =	simm.s32 @!p0 $0x1BF5;
	p2 =	por !p2, p0  }
0x20: {  	[sflag:s8] =	ssyncset.s32 @!p0 $0xFFFFF086;
	s6 =	sadd.s32 @!p0 s3, s7;
	s7 =	simm.s32 @!p0 $0x108  }
0x21: {  	s3 =	sadd.s32 s3, s9;
	s6 =	sadd.s32 @!p0 $0x88, s6;
	s7 =	simm.s32 @p2 $0x1082  }
0x22: {  	[simem:s7], [sflag:s8] =	dma.local @!p0 [hbm:s6], $0xF7A  }
0x23: {  	s9 =	sor.u32 $0xD0000000, s2;
	s6 =	simm.s32 $0x108;
	_ =	swait.ge @!p0 [sflag:s8], $0x0  }
0x24: {  	s3 =	sadd.s32 $0x88, s3;
	s6 =	simm.s32 @!p1 $0x1082;
	[sflag:s4] =	ssyncset.s32 $0xFFFFF086  }
0x25: {  	[simem:s6], [sflag:s4] =	dma.local [hbm:s3], $0xF7A  }
0x26: {  	[smem:$0x3F9F] =	sst s1;
	(tag) =	ssettag s2;
	_ =	strace s9  }
0x27: {  	s1 =	sld [smem:$0x3FAF]  }
0x28: {  	s2 =	sld [smem:$0x3FB0]  }
0x29: {  	s4 =	sld [smem:$0x3FB2]  }
0x2a: {  	p0 =	seq.s32 s5, $0x0;
	s5 =	sld [smem:$0x3FB3]  }
0x2b: {  	s6 =	sld [smem:$0x3FB4]  }
0x2c: {  	s7 =	sld [smem:$0x3FB5]  }
0x2d: {  	s3 =	simm.s32 $0x108;
	s8 =	sld [smem:$0x3FB6]  }
0x2e: {  	s3 =	simm.s32 @!p0 $0x1082;
	s9 =	sld [smem:$0x3FB7]  }
0x2f: {  	lr =	sadd.s32 s0, s3;
	s0 =	sld [smem:$0x3FAE]  }
0x30: {  	s3 =	sld [smem:$0x3FB1]  }
0x31: {  	[smem:$0x3FBA] =	sst s10  }
0x32: {  	s10 =	sld [smem:$0x3FB8];
	_ =	sdelay $0x3  }
0x33: {  	p0 =	seq.s32 s10, $0x1;
	s10 =	sld [smem:$0x3FBA];
	_ =	sdelay $0x3  }
0x34: {  	[smem:$0x3FBA] =	sst s10  }
0x35: {  	s10 =	sld [smem:$0x3FB9];
	_ =	sdelay $0x3  }
0x36: {  	p1 =	seq.s32 s10, $0x1;
	s10 =	sld [smem:$0x3FBA];
	_ =	sdelay $0x3  }
0x37: {  	[smem:$0x3FBA] =	sst s10  }
0x38: {  	s10 =	sld [smem:$0x3FBB]  }
0x39: {  	_ = 	snop;
	(pc) =	sbr.ind lr, $3  }
0x3a: {  	_ = 	snop  }
0x3b: {  	_ = 	snop  }
0x3c: {  	p2 =	seq.s32 s10, $0x1;
	s10 =	sld [smem:$0x3FBA]  }
0x3d: {  	_ =	shalt  }
0x3e: {  	_ =	shalt  }
0x3f: {  	_ =	shalt  }
0x40: {  	_ =	shalt  }
0x41: {  	_ =	shalt  }
0x42: {  	_ =	shalt  }
0x43: {  	_ =	shalt  }
0x44: {  	_ =	shalt  }
0x45: {  	_ =	shalt  }
0x46: {  	_ =	shalt  }
0x47: {  	_ =	shalt  }
0x48: {  	_ =	shalt  }
0x49: {  	_ =	shalt  }
0x4a: {  	_ =	shalt  }
0x4b: {  	_ =	shalt  }
0x4c: {  	_ =	shalt  }
0x4d: {  	_ =	shalt  }
0x4e: {  	_ =	shalt  }
0x4f: {  	_ =	shalt  }
0x50: {  	_ =	shalt  }
0x51: {  	_ =	shalt  }
0x52: {  	_ =	shalt  }
0x53: {  	_ =	shalt  }
0x54: {  	_ =	shalt  }
0x55: {  	_ =	shalt  }
0x56: {  	_ =	shalt  }
0x57: {  	_ =	shalt  }
0x58: {  	_ =	shalt  }
0x59: {  	_ =	shalt  }
0x5a: {  	_ =	shalt  }
0x5b: {  	_ =	shalt  }
0x5c: {  	_ =	shalt  }
0x5d: {  	_ =	shalt  }
0x5e: {  	_ =	shalt  }
0x5f: {  	_ =	shalt  }
0x60: {  	_ =	shalt  }
0x61: {  	_ =	shalt  }
0x62: {  	_ =	shalt  }
0x63: {  	_ =	shalt  }
0x64: {  	_ =	shalt  }
0x65: {  	_ =	shalt  }
0x66: {  	_ =	shalt  }
0x67: {  	_ =	shalt  }
0x68: {  	_ =	shalt  }
0x69: {  	_ =	shalt  }
0x6a: {  	_ =	shalt  }
0x6b: {  	_ =	shalt  }
0x6c: {  	_ =	shalt  }
0x6d: {  	_ =	shalt  }
0x6e: {  	_ =	shalt  }
0x6f: {  	_ =	shalt  }
0x70: {  	_ =	shalt  }
0x71: {  	_ =	shalt  }
0x72: {  	_ =	shalt  }
0x73: {  	_ =	shalt  }
0x74: {  	_ =	shalt  }
0x75: {  	_ =	shalt  }
0x76: {  	_ =	shalt  }
0x77: {  	_ =	shalt  }
0x78: {  	_ =	shalt  }
0x79: {  	_ =	shalt  }
0x7a: {  	_ =	shalt  }
0x7b: {  	_ =	shalt  }
0x7c: {  	_ =	shalt  }
0x7d: {  	_ =	shalt  }
0x7e: {  	_ =	shalt  }
0x7f: {  	_ =	shalt  }
0x80: {  	_ =	shalt  }
0x81: {  	_ =	shalt  }
0x82: {  	_ =	shalt  }
0x83: {  	_ =	shalt  }
0x84: {  	_ =	shalt  }
0x85: {  	_ =	shalt  }
0x86: {  	_ =	shalt  }
0x87: {  	_ =	shalt  }
.Lfunc_end0:
.L_simem_size_0:
called_computation_lowered:
.L_overlay_start_0:
0x88: {  	s2 =	sld [smem:$0x3FD9]  }
0x89: {  	s3 =	sld [smem:$0x3FFE];
	_ =	sdelay $0x1  }
0x8a: {  	s1 =	srdreg.scid  }
0x8b: {  	s0 =	sand.u32 $0x1, s1  }
0x8c: {  	s17 =	sshll.u32 s0, $0xA;
	s2 =	sadd.s32 s3, s2  }
0x8d: {  	s2 =	sadd.s32 s2, s17  }
0x8e: {  	[smem:$0x3FC6] =	sst s2  }
0x8f: {  	_ = 	snop  }
0x90: {  	s2 =	sld [smem:$0x3FC8];
	(tm) =	ssettm $0x1  }
0x91: {  	s18 =	sld [smem:$0x3FFB];
	_ =	sdelay $0x3  }
0x92: {  	_ =	strace s18  }
0x93: {  	s3 =	sld [smem:$0x3FFC];
	_ =	sdelay $0x3  }
0x94: {  	_ =	strace s3  }
0x95: {  	s3 =	sld [smem:$0x3FFD];
	_ =	sdelay $0x3  }
0x96: {  	_ =	strace s3  }
0x97: {  	_ =	strace $0x8FFFFFFF  }
0x98: {  	s19 =	sld [smem:$0x3FDB];
	_ =	sdelay $0x1  }
0x99: {  	s4 =	simm.s32 $_scs_section_size  }
0x9a: {  	s5 =	simm.s32 $_size__tile_overlayer_lowered;
	s6 =	simm.s32 $_tile_overlayer_lowered  }
0x9b: {  	s22 =	simm.s32 $0x1BFF;
	s21 =	sshll.u32 s6, $0x1;
	s3 =	sadd.s32 s4, s19  }
0x9c: {  	s7 =	simm.s32 $0x0;
	s20 =	sshll.u32 s5, $0x1;
	s5 =	sadd.s32 s21, s3  }
0x9d: {  	[timem:s7], [sflag:s22] =	dma.local [hbm:s5], s20  }
0x9e: {  	_ =	swait.ge [sflag:s22], s20  }
0x9f: {  	s4 =	ssub.s32 $0x0, s20;
	[sflag:s22] =	ssyncset.done $0x0  }
0xa0: {  	[sflag:s22] =	ssyncadd.s32 s4;
	_ =	sdelay $0x1  }
0xa1: {  	s23 =	simm.s32 $0x1B8B  }
0xa2: {  	_ =	swait.ge [sflag:s23], $0x1  }
0xa3: {  	[sflag:s23] =	ssyncset.done $0x0  }
0xa4: {  	s25 =	simm.s32 $0x1B8E;
	s24 =	sld [smem:$0x3FFE];
	[sflag:s23] =	ssyncadd.s32 $0xFFFFFFFF  }
0xa5: {  	s26 =	simm.s32 $execute0_lowered;
	[smem:$0x3FD2] =	sst s25  }
0xa6: {  	s5 =	sshll.u32 s26, $0x1;
	_ =	strace $0x80000046;
	[dreg:$0x1] =	wrdreg $0xFFFFFFFF  }
0xa7: {  	s28 =	simm.s32 $_size_execute0_lowered;
	s3 =	sadd.s32 s3, s5;
	[dreg:$0x0] =	wrdreg $0x0  }
0xa8: {  	s5 =	sshll.u32 s28, $0x1;
	[dreg:$0x2] =	wrdreg s3  }
0xa9: {  	[dreg:$0x3] =	wrdreg s5  }
0xaa: {  	[dreg:$0x4] =	wrdreg $0xC0  }
0xab: {  	_ =	task [dreg:s7], $0x5FFFF  }
0xac: {  	[dreg:$0x1] =	wrdreg $0xFFFFFFFF  }
0xad: {  	[dreg:$0x0] =	wrdreg $0x60  }
0xae: {  	[dreg:$0x2] =	wrdreg s24  }
0xaf: {  	[dreg:$0x3] =	wrdreg s2  }
0xb0: {  	[dreg:$0x4] =	wrdreg $0x9  }
0xb1: {  	_ =	task.clear_ibuf [dreg:s7], $0x5FFFF;
	_ =	strace $0x90000046  }
0xb2: {  	s29 =	simm.s32 $0x9;
	_ =	strace $0x80000048  }
0xb3: {  	_ =	swait.ge [sflag:s29], $0x1  }
0xb4: {  	[sflag:s29] =	ssyncadd.s32 $0xFFFFFFFF  }
0xb5: {  	_ =	strace $0x90000048  }
0xb6: {  	_ =	sfence  }
0xb7: {  	s30 =	sld [smem:$0x0];
	_ =	sdelay $0x2  }
0xb8: {  	s31 =	sshll.u32 s1, $0xD;
	s1 =	sshrl.u32 s1, $0x2  }
0xb9: {  	s3 =	sand.u32 $0x4000, s31;
	s1 =	sadd.s32 s1, s30  }
0xba: {  	s0 =	sor.u32 s3, s0;
	s1 =	sshll.u32 s1, $0x11  }
0xbb: {  	s0 =	sor.u32 s1, s0  }
0xbc: {  	s0 =	sadd.s32 $0x8F2B, s0  }
0xbd: {  	[sflag:s0] =	ssyncadd.remote.s32 $0x1  }
0xbe: {  	_ =	sfence.sel $0xFFFF  }
0xbf: {  	[dreg:$0x0] =	wrdreg $0xFFFFFFFF;
	(pc) =	sbr.abs _section_cstart, $3  }
0xc0: {  	[dreg:$0x1] =	wrdreg $0xFFFFFFFF  }
0xc1: {  	_ =	task.clear_ibuf [dreg:s7], $0x2FFFF;
	_ =	strace $0x9FFFFFFF  }
0xc2: {  	(tm) =	ssettm $0x7FFFFFFF  }
0xc3: {  	_ =	shalt  }
tec
execute0_lowered:
.L_overlay_start_1:
0x0: {  	(tag) =	ssettag $0x1  }
0x1: {  	s4 =	rddreg [dreg:$0x0]  }
0x2: {  	s5 =	rddreg [dreg:$0x1]  }
0x3: {  	s0 =	rddreg [dreg:$0x2]  }
0x4: {  	s3 =	srdreg.scid;
	s1 =	stileid.u32  }
0x5: {  	s2 =	simm.s32 $0x0;
	s6 =	sand.u32 $0x1, s3;
	s19 =	sshll.u32 s1, $0x1  }
0x6: {  	[smem:$0x7FF] =	sst s2;
	s3 =	sadd.s32 $0x200000, s4;
	s7 =	sor.u32 s6, s19  }
0x7: {  	_ =	strace $0x80000047;
	s6 =	ssub.s32 $0x2, s6;
	s8 =	sshll.u32 s7, $0x4  }
0x8: {  	s9 =	sshrl.u32 s6, $0x1;
	s10 =	sshll.u32 s7, $0x6;
	s7 =	smul.u32 $0x7D000, s7  }
0x9: {  	v0 =	vlaneseq.u32;
	s8 =	sadd.s32 s8, s4;
	s6 =	ssub.s32 s6, s9;
	s4 =	sadd.s32 s5, s10  }
0xa: {  	v31 =	vmul.u32 $0x3E8, v0;
	s9 =	simm.s32 $0x200;
	s10 =	simm.s32 $0x280;
	s20 =	sadd.s32 $0x3E80, s7  }
0xb: {  	s21 =	sadd.s32 $0x7D00, s7;
	s22 =	sadd.s32 $0xBB80, s7;
	s11 =	sadd.s32 $0xFA00, s7  }
0xc: {  	s12 =	sadd.s32 $0x13880, s7;
	s13 =	sadd.s32 $0x17700, s7;
	s23 =	sadd.s32 $0x1B580, s7;
	v25 =	vadd.s32 s7, v31;
	v0 =	vadd.s32 s20, v31  }
0xd: {  	s24 =	sadd.s32 $0x1F400, s7;
	s14 =	sadd.s32 $0x23280, s7;
	s25 =	sadd.s32 $0x27100, s7;
	v1 =	vadd.s32 s21, v31;
	v2 =	vadd.s32 s22, v31;
	v3 =	vadd.s32 s11, v31  }
0xe: {  	s26 =	sadd.s32 $0x2AF80, s7;
	s28 =	sadd.s32 $0x2EE00, s7;
	s29 =	sadd.s32 $0x32C80, s7;
	v4 =	vadd.s32 s12, v31;
	v5 =	vadd.s32 s13, v31;
	v6 =	vadd.s32 s23, v31  }
0xf: {  	s30 =	sadd.s32 $0x36B00, s7;
	s31 =	sadd.s32 $0x3A980, s7;
	s15 =	sadd.s32 $0x3E800, s7;
	v7 =	vadd.s32 s24, v31;
	v8 =	vadd.s32 s14, v31;
	v9 =	vadd.s32 s25, v31  }
0x10: {  	s16 =	sadd.s32 $0x42680, s7;
	s17 =	sadd.s32 $0x46500, s7;
	s18 =	sadd.s32 $0x4A380, s7;
	v10 =	vadd.s32 s26, v31;
	v11 =	vadd.s32 s28, v31;
	v12 =	vadd.s32 s29, v31  }
0x11: {  	s19 =	sadd.s32 $0x4E200, s7;
	s5 =	sadd.s32 $0x3F4000, s8;
	s6 =	smax.u32 s6, $0x1;
	v13 =	vadd.s32 s30, v31;
	v14 =	vadd.s32 s31, v31;
	v15 =	vadd.s32 s15, v31  }
0x12: {  	s8 =	simm.s32 $0x80;
	s20 =	sadd.s32 $0x52080, s7;
	v16 =	vadd.s32 s16, v31;
	s21 =	sadd.s32 $0x55F00, s7;
	v17 =	vadd.s32 s17, v31;
	v18 =	vadd.s32 s18, v31  }
0x13: {  	s22 =	sadd.s32 $0x59D80, s7;
	s23 =	sadd.s32 $0x5DC00, s7;
	v19 =	vadd.s32 s19, v31;
	s24 =	sadd.s32 $0x61A80, s7;
	v20 =	vadd.s32 s20, v31;
	v21 =	vadd.s32 s21, v31  }
0x14: {  	s25 =	sadd.s32 $0x65900, s7;
	s26 =	sadd.s32 $0x69780, s7;
	s28 =	sadd.s32 $0x6D600, s7;
	v22 =	vadd.s32 s22, v31;
	v23 =	vadd.s32 s23, v31;
	v24 =	vadd.s32 s24, v31  }
0x15: {  	s29 =	sadd.s32 $0x71480, s7;
	s30 =	sadd.s32 $0x75300, s7;
	s31 =	sadd.s32 $0x79180, s7;
	v26 =	vadd.s32 s25, v31;
	v27 =	vadd.s32 s26, v31;
	v28 =	vadd.s32 s28, v31  }
0x16: {  	s7 =	simm.s32 $0x2;
	s11 =	simm.s32 $0x1;
	s12 =	simm.s32 $0x300;
	v29 =	vadd.s32 s29, v31;
	v30 =	vadd.s32 s30, v31;
	v31 =	vadd.s32 s31, v31  }
.LBB2_1:
0x17: {  	[tilespmem:s2], [sflag:$0x2] =	stream.linear.gather [hbm4b:s4+s2], $0x200, $0x38;
	[tilespmem:$0x380] =	vst v63  }
0x18: {  	_ =	swait.ge [sflag:s7], $0x200  }
0x19: {  	[sflag:s7] =	ssyncset.done $0x0  }
0x1a: {  	[sflag:s7] =	ssyncadd.s32 $0xFFFFFE00  }
0x1b: {  	v32 =	vld [tilespmem:$0x0]  }
0x1c: {  	v33 =	vld [tilespmem:$0x10]  }
0x1d: {  	v34 =	vld [tilespmem:$0x20]  }
0x1e: {  	v35 =	vld [tilespmem:$0x30]  }
0x1f: {  	v36 =	vld [tilespmem:$0x40]  }
0x20: {  	v37 =	vld [tilespmem:$0x50];
	v32 =	vadd.s32 v32, v25  }
0x21: {  	v50 =	vld [tilespmem:$0x60];
	v49 =	vadd.s32 v33, v0;
	[tilespmem:$0x200] =	vst v32  }
0x22: {  	v52 =	vld [tilespmem:$0x70];
	v51 =	vadd.s32 v34, v1;
	[tilespmem:$0x210] =	vst v49  }
0x23: {  	v53 =	vadd.s32 v35, v2;
	[tilespmem:$0x220] =	vst v51  }
0x24: {  	v54 =	vadd.s32 v36, v3;
	[tilespmem:$0x230] =	vst v53  }
0x25: {  	v55 =	vadd.s32 v37, v4;
	[tilespmem:$0x240] =	vst v54  }
0x26: {  	v56 =	vadd.s32 v50, v5;
	[tilespmem:$0x250] =	vst v55  }
0x27: {  	v57 =	vadd.s32 v52, v6;
	[tilespmem:$0x260] =	vst v56  }
0x28: {  	[tilespmem:$0x270] =	vst v57  }
0x29: {  	[tilespmem:s10], [sflag:$0x1] =	stream.indirect.gather [hbm4b:s3+s8], $0x1, s9, s8, $0xb8;
	[tilespmem:$0x380] =	vst v63  }
0x2a: {  	_ =	swait.ge [sflag:s11], $0x80  }
0x2b: {  	[sflag:s11] =	ssyncset.done $0x0  }
0x2c: {  	[sflag:s11] =	ssyncadd.s32 $0xFFFFFF80  }
0x2d: {  	v58 =	vld [tilespmem:$0x280]  }
0x2e: {  	v60 =	vld [tilespmem:$0x80]  }
0x2f: {  	v61 =	vld [tilespmem:$0x90]  }
0x30: {  	v62 =	vld [tilespmem:$0xA0]  }
0x31: {  	v63 =	vld [tilespmem:$0xB0]  }
0x32: {  	v38 =	vld [tilespmem:$0xC0]  }
0x33: {  	v39 =	vld [tilespmem:$0xD0];
	v34 =	vadd.s32 v60, v7  }
0x34: {  	v45 =	vld [tilespmem:$0xE0];
	v44 =	vadd.s32 v61, v8;
	[tilespmem:$0x200] =	vst v34  }
0x35: {  	v47 =	vld [tilespmem:$0xF0];
	v46 =	vadd.s32 v62, v9;
	[tilespmem:$0x210] =	vst v44  }
0x36: {  	v59 =	vld [tilespmem:$0x290];
	v48 =	vadd.s32 v63, v10;
	[tilespmem:$0x220] =	vst v46  }
0x37: {  	v40 =	vld [tilespmem:$0x2A0];
	v50 =	vadd.s32 v38, v11;
	[tilespmem:$0x230] =	vst v48  }
0x38: {  	v49 =	vld [tilespmem:$0x2B0];
	v52 =	vadd.s32 v39, v12;
	[tilespmem:$0x240] =	vst v50  }
0x39: {  	v51 =	vld [tilespmem:$0x2C0];
	v54 =	vadd.s32 v45, v13;
	[tilespmem:$0x250] =	vst v52  }
0x3a: {  	v53 =	vld [tilespmem:$0x2D0];
	v56 =	vadd.s32 v47, v14;
	[tilespmem:$0x260] =	vst v54  }
0x3b: {  	v55 =	vld [tilespmem:$0x2E0];
	[tilespmem:$0x270] =	vst v56  }
0x3c: {  	v57 =	vld [tilespmem:$0x2F0];
	[tilespmem:s10], [sflag:$0x1] =	stream.indirect.gather [hbm4b:s3+s8], $0x1, s9, s8, $0xb8  }
0x3d: {  	v32 =	vadd.f32 $0.0e+00, v58;
	_ =	swait.ge [sflag:s11], $0x80  }
0x3e: {  	[sflag:s11] =	ssyncset.done $0x0  }
0x3f: {  	v32 =	vadd.f32 v59, v32;
	[sflag:s11] =	ssyncadd.s32 $0xFFFFFF80  }
0x40: {  	v58 =	vld [tilespmem:$0x280]  }
0x41: {  	v32 =	vadd.f32 v40, v32;
	v60 =	vld [tilespmem:$0x100]  }
0x42: {  	v41 =	vld [tilespmem:$0x110]  }
0x43: {  	v32 =	vadd.f32 v49, v32;
	v61 =	vld [tilespmem:$0x120]  }
0x44: {  	v42 =	vld [tilespmem:$0x130]  }
0x45: {  	v62 =	vld [tilespmem:$0x140];
	v32 =	vadd.f32 v51, v32  }
0x46: {  	v43 =	vld [tilespmem:$0x150];
	v40 =	vadd.s32 v60, v15  }
0x47: {  	v44 =	vld [tilespmem:$0x160];
	v32 =	vadd.f32 v53, v32;
	v63 =	vadd.s32 v41, v16;
	[tilespmem:$0x200] =	vst v40  }
0x48: {  	v45 =	vld [tilespmem:$0x170];
	v37 =	vadd.s32 v61, v17;
	[tilespmem:$0x210] =	vst v63  }
0x49: {  	v59 =	vld [tilespmem:$0x290];
	v47 =	vadd.s32 v42, v18;
	v32 =	vadd.f32 v55, v32;
	[tilespmem:$0x220] =	vst v37  }
0x4a: {  	v46 =	vld [tilespmem:$0x2A0];
	v38 =	vadd.s32 v62, v19;
	[tilespmem:$0x230] =	vst v47  }
0x4b: {  	v48 =	vld [tilespmem:$0x2B0];
	v50 =	vadd.s32 v43, v20;
	[tilespmem:$0x240] =	vst v38;
	v32 =	vadd.f32 v57, v32  }
0x4c: {  	v49 =	vld [tilespmem:$0x2C0];
	v52 =	vadd.s32 v44, v21;
	[tilespmem:$0x250] =	vst v50  }
0x4d: {  	v51 =	vld [tilespmem:$0x2D0];
	v54 =	vadd.s32 v45, v22;
	[tilespmem:$0x260] =	vst v52;
	v32 =	vadd.f32 v58, v32  }
0x4e: {  	v53 =	vld [tilespmem:$0x2E0];
	[tilespmem:$0x270] =	vst v54  }
0x4f: {  	v55 =	vld [tilespmem:$0x2F0];
	[tilespmem:s10], [sflag:$0x1] =	stream.indirect.gather [hbm4b:s3+s8], $0x1, s9, s8, $0xb8;
	v32 =	vadd.f32 v59, v32  }
0x50: {  	_ =	swait.ge [sflag:s11], $0x80  }
0x51: {  	[sflag:s11] =	ssyncset.done $0x0;
	v32 =	vadd.f32 v46, v32  }
0x52: {  	[sflag:s11] =	ssyncadd.s32 $0xFFFFFF80  }
0x53: {  	v56 =	vld [tilespmem:$0x280];
	v32 =	vadd.f32 v48, v32  }
0x54: {  	v57 =	vld [tilespmem:$0x290]  }
0x55: {  	v58 =	vld [tilespmem:$0x2A0];
	v32 =	vadd.f32 v49, v32  }
0x56: {  	v60 =	vld [tilespmem:$0x190]  }
0x57: {  	v61 =	vld [tilespmem:$0x1A0];
	v32 =	vadd.f32 v51, v32  }
0x58: {  	v62 =	vld [tilespmem:$0x1B0]  }
0x59: {  	v59 =	vld [tilespmem:$0x180];
	v32 =	vadd.f32 v53, v32  }
0x5a: {  	v63 =	vld [tilespmem:$0x1C0]  }
0x5b: {  	v47 =	vld [tilespmem:$0x1F0];
	v44 =	vadd.s32 v60, v24;
	v32 =	vadd.f32 v55, v32  }
0x5c: {  	v43 =	vld [tilespmem:$0x1D0];
	v46 =	vadd.s32 v61, v26;
	[tilespmem:$0x210] =	vst v44  }
0x5d: {  	v45 =	vld [tilespmem:$0x1E0];
	v33 =	vadd.s32 v62, v27;
	[tilespmem:$0x220] =	vst v46;
	v32 =	vadd.f32 v56, v32  }
0x5e: {  	v48 =	vld [tilespmem:$0x2B0];
	v37 =	vadd.s32 v59, v23;
	[tilespmem:$0x230] =	vst v33  }
0x5f: {  	[tilespmem:$0x200] =	vst v37;
	v49 =	vadd.s32 v63, v28;
	v32 =	vadd.f32 v57, v32  }
0x60: {  	v50 =	vld [tilespmem:$0x2C0];
	v37 =	vadd.s32 v47, v31;
	[tilespmem:$0x240] =	vst v49  }
0x61: {  	[tilespmem:$0x270] =	vst v37;
	v51 =	vadd.s32 v43, v29;
	v32 =	vadd.f32 v58, v32  }
0x62: {  	v52 =	vld [tilespmem:$0x2D0];
	[tilespmem:$0x250] =	vst v51;
	v53 =	vadd.s32 v45, v30  }
0x63: {  	v54 =	vld [tilespmem:$0x2E0];
	[tilespmem:$0x260] =	vst v53;
	v32 =	vadd.f32 v48, v32  }
0x64: {  	v55 =	vld [tilespmem:$0x2F0];
	[tilespmem:s10], [sflag:$0x1] =	stream.indirect.gather [hbm4b:s3+s8], $0x1, s9, s8, $0xb8  }
0x65: {  	_ =	swait.ge [sflag:s11], $0x80;
	v32 =	vadd.f32 v50, v32  }
0x66: {  	[sflag:s11] =	ssyncset.done $0x0  }
0x67: {  	[sflag:s11] =	ssyncadd.s32 $0xFFFFFF80;
	v32 =	vadd.f32 v52, v32  }
0x68: {  	v56 =	vld [tilespmem:$0x280]  }
0x69: {  	v32 =	vadd.f32 v54, v32  }
0x6a: {  	v57 =	vld [tilespmem:$0x290]  }
0x6b: {  	v32 =	vadd.f32 v55, v32  }
0x6c: {  	v58 =	vld [tilespmem:$0x2A0]  }
0x6d: {  	v32 =	vadd.f32 v56, v32  }
0x6e: {  	v59 =	vld [tilespmem:$0x2B0]  }
0x6f: {  	v32 =	vadd.f32 v57, v32  }
0x70: {  	v60 =	vld [tilespmem:$0x2C0]  }
0x71: {  	v32 =	vadd.f32 v58, v32  }
0x72: {  	v61 =	vld [tilespmem:$0x2D0]  }
0x73: {  	v32 =	vadd.f32 v59, v32  }
0x74: {  	v62 =	vld [tilespmem:$0x2E0]  }
0x75: {  	v32 =	vadd.f32 v60, v32  }
0x76: {  	v63 =	vld [tilespmem:$0x2F0]  }
0x77: {  	v32 =	vadd.f32 v61, v32;
	_ =	sdelay $0x1  }
0x78: {  	v32 =	vadd.f32 v62, v32;
	_ =	sdelay $0x1  }
0x79: {  	v32 =	vadd.f32 v63, v32  }
0x7a: {  	p0 =	sne.s32 s6, $0x1  }
.Ltmp0:
0x7b: {  	[tilespmem:$0x300] =	vst v32;
	(pc) =	sbr.rel @p0 .LBB2_1-.Ltmp0, $4  }
0x7c: {  	[hbm4b:s5+s2] =	stream.linear.scatter [tilespmem:s12], [sflag:$0x2], $0x80, $0x38;
	[tilespmem:$0x380] =	vst v63  }
0x7d: {  	_ =	swait.ge [sflag:s7], $0x80  }
0x7e: {  	[sflag:s7] =	ssyncset.done $0x0  }
0x7f: {  	s6 =	sadd.s32 $0xFFFFFFFF, s6;
	[sflag:s7] =	ssyncadd.s32 $0xFFFFFF80  }
0x80: {  	_ =	sfence.sel $0x180000  }
0x81: {  	[bflag:$0x0] =	sbarrier.arrive $0xFFFF  }
0x82: {  	p0 =	sne.s32 s1, $0x0;
	_ =	strace $0x90000047  }
0x83: {  	s0 =	sadd.s32 @!p0 $0x100000, s0;
	[bflag:$0x2] =	sbarrier.arrive $0xFFFF  }
0x84: {  	[sflag:s0] =	ssyncadd.tile.s32 @!p0 $0x1;
	_ =	shalt  }
.Lfunc_end2:
_tile_overlayer_lowered:
.L_overlay_start_2:
0x85: {  	(tag) =	ssettag $0x2  }
0x86: {  	s0 =	rddreg [dreg:$0x0];
	s2 =	stileid.u32  }
0x87: {  	s1 =	rddreg [dreg:$0x1];
	p0 =	sne.s32 s2, $0x0  }
0x88: {  	s3 =	rddreg [dreg:$0x2];
	[bflag:$0x3] =	sbarrier.arrive $0xFFFF;
	s2 =	simm.s32 @!p0 $0x1C02  }
0x89: {  	[timem:s3], [sflag:s2] =	dma.local @!p0 [hbm:s0], s1  }
0x8a: {  	s0 =	simm.s32 @!p0 $0x2  }
0x8b: {  	_ =	swait.ge @!p0 [sflag:s0], s1  }
0x8c: {  	s1 =	ssub.s32 @!p0 $0x0, s1;
	[sflag:s0] =	ssyncset.done @!p0 $0x0  }
0x8d: {  	[sflag:s0] =	ssyncadd.s32 @!p0 s1  }
0x8e: {  	[bflag:$0x3] =	sbarrier.arrive $0xFFFF  }
0x8f: {  	_ =	shalt  }

</sc_bundles>
